<compile_context>
chip_gen: v7x
topology: tpu7x:2x2x1
jax: 0.10.2.dev20260603
libtpu: 0.0.44.dev20260713+nightly
codegen_flags: <defaults>
</compile_context>

<pallas_src>
import jax
import jax.numpy as jnp
from jax import lax
from jax.experimental import pallas as pl
from jax.experimental.pallas import tpu as pltpu
from jax.experimental.pallas import tpu_sc as plsc

N = 100000
NP = 102400
E = 3200000
NC = 2
NS = 16
NW = NC * NS
PER_TILE = E // NW
WIN = 2000
NWIN = PER_TILE // WIN
RPT = NP // NS
FR = RPT * 4 // 128
FROWS = NP * 4 // 128
CH = 800
CF = CH * 4 // 128
NCH = RPT // CH

_SC_MESH = plsc.VectorSubcoreMesh(core_axis_name="c", subcore_axis_name="s")
_SC_PARAMS = pltpu.CompilerParams(use_tc_tiling_on_sc=False,
                                  needs_layout_passes=False)


def _fill4(ref, nrows, val):
    iota = lax.iota(jnp.int32, 16)
    r0 = iota >> 2
    c0 = iota & 3
    v = jnp.full((16,), val, jnp.float32)

    def body(g, carry):
        plsc.store_scatter(ref, [r0 + g * 4, c0], v)
        return carry

    lax.fori_loop(0, nrows // 4, body, 0)


HW = 2000
HK = PER_TILE // (2 * HW)


def _sc_hist_body(dst_hbm, out_hbm, ia, ib, ones_v, zb, deg_sh, sia):
    c = lax.axis_index("c")
    s = lax.axis_index("s")
    wid = c * NS + s
    _fill4(ones_v, HW, 1.0)
    _fill4(zb, CH, 0.0)
    for k in range(RPT // CH):
        pltpu.sync_copy(zb, deg_sh.at[pl.ds(s * RPT + k * CH, CH), :])
    plsc.subcore_barrier()
    base_e = wid * PER_TILE

    def win(w):
        return dst_hbm.at[pl.ds(base_e + w * HW, HW)]

    def body(k, carry):
        w = 2 * k
        pltpu.sync_copy(win(w), ia)
        pltpu.sync_copy(ones_v, deg_sh.at[ia], add=True)
        pltpu.sync_copy(win(w + 1), ib)
        pltpu.sync_copy(ones_v, deg_sh.at[ib], add=True)
        return carry

    lax.fori_loop(0, HK, body, 0)
    plsc.subcore_barrier()
    pltpu.sync_copy(deg_sh.at[pl.ds(s * RPT, RPT), :],
                    out_hbm.at[c, pl.ds(s * RPT, RPT), :])


_sc_hist = pl.kernel(
    _sc_hist_body,
    out_type=jax.ShapeDtypeStruct((NC, NP, 4), jnp.float32),
    mesh=_SC_MESH,
    compiler_params=_SC_PARAMS,
    scratch_types=[
        pltpu.VMEM((HW,), jnp.int32),
        pltpu.VMEM((HW,), jnp.int32),
        pltpu.VMEM((HW, 4), jnp.float32),
        pltpu.VMEM((CH, 4), jnp.float32),
        pltpu.VMEM_SHARED((NP, 4), jnp.float32),
        pltpu.SemaphoreType.DMA,
    ],
)


def _rsqrt16(d):
    i = plsc.bitcast(d, jnp.int32)
    y = plsc.bitcast(jnp.int32(0x5F3759DF) - (i >> 1), jnp.float32)
    for _ in range(3):
        y = y * (1.5 - 0.5 * d * y * y)
    return y


def _sc_msg_body(src_hbm, dst_hbm, deg_hbm, x_hbm, out_hbm,
                 sa_v, da_v, ra_v, xb, vb, da, db, pb,
                 dvb, p_sh, acc_sh, sga):
    c = lax.axis_index("c")
    s = lax.axis_index("s")
    wid = c * NS + s
    row0 = s * RPT
    f0 = s * FR
    iota = lax.iota(jnp.int32, 16)
    r0 = iota >> 2
    c0 = iota & 3

    _fill4(pb, CH, 0.0)
    for k in range(RPT // CH):
        pltpu.sync_copy(pb, acc_sh.at[pl.ds(row0 + k * CH, CH), :])

    def prologue(ck, carry):
        pltpu.sync_copy(deg_hbm.at[0, pl.ds(row0 + ck * CH, CH), :], da)
        pltpu.sync_copy(deg_hbm.at[1, pl.ds(row0 + ck * CH, CH), :], db)
        pltpu.sync_copy(x_hbm.at[pl.ds(f0 + ck * CF, CF), :], xb)

        def group(g, carry2):
            rows = r0 + g * 4
            d0 = plsc.load_gather(da, [rows, c0])
            d1 = plsc.load_gather(db, [rows, c0])
            d = d0 + d1 + 1.0
            y = _rsqrt16(d)
            xv = xb[g >> 3, pl.ds((g & 7) * 16, 16)]
            p16 = y * xv
            plsc.store_scatter(pb, [rows, c0], p16)
            nl = (ck * CH + g * 4) + r0
            plsc.store_scatter(dvb, [nl >> 7, nl & 127], y, mask=(c0 == 0))
            return carry2

        lax.fori_loop(0, CH // 4, group, 0)
        pltpu.sync_copy(pb, p_sh.at[pl.ds(row0 + ck * CH, CH), :])
        return carry

    lax.fori_loop(0, NCH, prologue, 0)
    plsc.subcore_barrier()
    base_e = wid * PER_TILE

    def wsrc(w):
        return src_hbm.at[pl.ds(base_e + w * WIN, WIN)]

    def wdst(w):
        return dst_hbm.at[pl.ds(base_e + w * WIN, WIN)]

    def body(w, carry):
        pltpu.sync_copy(wsrc(w), sa_v)
        pltpu.sync_copy(wdst(w), da_v)
        pltpu.async_copy(p_sh.at[sa_v], ra_v, sga).wait()
        pltpu.sync_copy(ra_v, acc_sh.at[da_v], add=True)
        return carry

    lax.fori_loop(0, NWIN, body, 0)
    plsc.subcore_barrier()

    def drain(ck, carry):
        pltpu.sync_copy(acc_sh.at[pl.ds(row0 + ck * CH, CH), :], da)
        pltpu.sync_copy(x_hbm.at[pl.ds(f0 + ck * CF, CF), :], xb)

        def group(g, carry2):
            rows = r0 + g * 4
            a16 = plsc.load_gather(da, [rows, c0])
            nl = (ck * CH + g * 4) + r0
            y = plsc.load_gather(dvb, [nl >> 7, nl & 127])
            xv = xb[g >> 3, pl.ds((g & 7) * 16, 16)]
            v16 = y * a16 + 0.5 * y * y * xv
            vb[g >> 3, pl.ds((g & 7) * 16, 16)] = v16
            return carry2

        lax.fori_loop(0, CH // 4, group, 0)
        pltpu.sync_copy(vb, out_hbm.at[c, pl.ds(f0 + ck * CF, CF), :])
        return carry

    lax.fori_loop(0, NCH, drain, 0)


_sc_msg = pl.kernel(
    _sc_msg_body,
    out_type=jax.ShapeDtypeStruct((NC, FROWS, 128), jnp.float32),
    mesh=_SC_MESH,
    compiler_params=_SC_PARAMS,
    scratch_types=[
        pltpu.VMEM((WIN,), jnp.int32),
        pltpu.VMEM((WIN,), jnp.int32),
        pltpu.VMEM((WIN, 4), jnp.float32),
        pltpu.VMEM((CF, 128), jnp.float32),
        pltpu.VMEM((CF, 128), jnp.float32),
        pltpu.VMEM((CH, 4), jnp.float32),
        pltpu.VMEM((CH, 4), jnp.float32),
        pltpu.VMEM((CH, 4), jnp.float32),
        pltpu.VMEM((RPT // 128, 128), jnp.float32),
        pltpu.VMEM_SHARED((NP, 4), jnp.float32),
        pltpu.VMEM_SHARED((NP, 4), jnp.float32),
        pltpu.SemaphoreType.DMA,
    ],
)


def _tc_gcn_body(v_ref, bigw_ref, bias_ref, out_ref):
    u = v_ref[0] + v_ref[1]
    t = jnp.dot(u, bigw_ref[...], preferred_element_type=jnp.float32)
    out_ref[...] = jnp.maximum(t + bias_ref[...], 0.0)


def _tc_gcn(v, bigw, bias_flat):
    return pl.pallas_call(
        _tc_gcn_body,
        out_shape=jax.ShapeDtypeStruct((FROWS, 512), jnp.float32),
    )(v, bigw, bias_flat)


_CB = 1024
_LPAD = 100352
_NBLK = _LPAD // _CB


def _tc_conv_body(zc_ref, zl_ref, zr_ref, w0_ref, w1_ref, w2_ref, cb_ref,
                  fcw_ref, fcb_ref, out_ref, acc_ref):
    i = pl.program_id(0)

    @pl.when(i == 0)
    def _init():
        acc_ref[...] = jnp.zeros_like(acc_ref)

    z = (jnp.dot(w0_ref[...], zl_ref[...], preferred_element_type=jnp.float32)
         + jnp.dot(w1_ref[...], zc_ref[...], preferred_element_type=jnp.float32)
         + jnp.dot(w2_ref[...], zr_ref[...], preferred_element_type=jnp.float32)
         + cb_ref[...])
    z = jnp.maximum(z, 0.0)
    col = i * _CB + lax.broadcasted_iota(jnp.int32, (32, _CB), 1)
    acc_ref[...] += jnp.where(col < N, z, 0.0)

    @pl.when(i == _NBLK - 1)
    def _fin():
        m = jnp.sum(acc_ref[...], axis=1, keepdims=True) * (1.0 / N)
        val = (jnp.sum(m * fcw_ref[...], keepdims=True).reshape(1, 1)
               + fcb_ref[...])
        out_ref[...] = 1.0 / (1.0 + jnp.exp(-val))


def _tc_conv(zc, zl, zr, w0, w1, w2, cb2, fcw2, fcb2):
    return pl.pallas_call(
        _tc_conv_body,
        grid=(_NBLK,),
        in_specs=[
            pl.BlockSpec((16, _CB), lambda i: (0, i)),
            pl.BlockSpec((16, _CB), lambda i: (0, i)),
            pl.BlockSpec((16, _CB), lambda i: (0, i)),
            pl.BlockSpec((32, 16), lambda i: (0, 0)),
            pl.BlockSpec((32, 16), lambda i: (0, 0)),
            pl.BlockSpec((32, 16), lambda i: (0, 0)),
            pl.BlockSpec((32, 1), lambda i: (0, 0)),
            pl.BlockSpec((32, 1), lambda i: (0, 0)),
            pl.BlockSpec((1, 1), lambda i: (0, 0)),
        ],
        out_specs=pl.BlockSpec((1, 1), lambda i: (0, 0)),
        out_shape=jax.ShapeDtypeStruct((1, 1), jnp.float32),
        scratch_shapes=[pltpu.VMEM((32, _CB), jnp.float32)],
    )(zc, zl, zr, w0, w1, w2, cb2, fcw2, fcb2)


def kernel(x, edge_index, W_gcn, b_gcn, conv_w, conv_b, fc_w, fc_b):
    src = edge_index[0]
    dst = edge_index[1]

    deg4 = _sc_hist(dst)
    x_flat = jnp.pad(x, ((0, NP - N), (0, 0))).reshape(FROWS, 128)

    v = _sc_msg(src, dst, deg4, x_flat)

    bigw = jnp.kron(jnp.eye(32, dtype=jnp.float32), W_gcn)
    bias_flat = jnp.tile(b_gcn, 32).reshape(1, 512)
    out_flat = _tc_gcn(v, bigw, bias_flat)

    z = out_flat[:N // 32].reshape(16, N)
    zc = jnp.pad(z, ((0, 0), (0, _LPAD - N)))
    zl = jnp.pad(z[:, :N - 1], ((0, 0), (1, _LPAD - N)))
    zr = jnp.pad(z[:, 1:], ((0, 0), (0, _LPAD - N + 1)))

    w0 = conv_w[:, :, 0]
    w1 = conv_w[:, :, 1]
    w2 = conv_w[:, :, 2]
    cb2 = conv_b.reshape(32, 1)
    fcw2 = fc_w.reshape(32, 1)
    fcb2 = fc_b.reshape(1, 1)

    y = _tc_conv(zc, zl, zr, w0, w1, w2, cb2, fcw2, fcb2)
    return y.reshape(-1)

# --- scband reference (transcript-rebuilt; emitter-appended) ---
"""Pipeline reference for scband-gnn-cnn-model-38276748542669 (READ-ONLY COPY).

The authoritative reference and input builder live on the scoring server;
editing this copy changes nothing except your own understanding.
"""

import jax, jax.numpy as jnp
import numpy as np

N_NODES = 100000
N_EDGES = 3200000


def setup_inputs(seed: int = 0) -> dict:
    key = jax.random.key(seed)
    ks = jax.random.split(key, 8)
    x = jax.random.normal(ks[0], (N_NODES, 4), dtype=jnp.float32)
    edge_index = jax.random.randint(ks[1], (2, N_EDGES), 0, N_NODES, dtype=jnp.int32)
    # GCNConv(4, 16): weight [4, 16], bias [16]
    W_gcn = jax.random.normal(ks[2], (4, 16), dtype=jnp.float32) * 0.5
    b_gcn = jnp.zeros((16,), dtype=jnp.float32)
    # Conv1d(16, 32, kernel_size=3, padding=1): weight [32, 16, 3], bias [32]
    conv_w = jax.random.normal(ks[3], (32, 16, 3), dtype=jnp.float32) * 0.1
    conv_b = jnp.zeros((32,), dtype=jnp.float32)
    # Linear(32, 1)
    fc_w = jax.random.normal(ks[4], (1, 32), dtype=jnp.float32) * 0.1
    fc_b = jnp.zeros((1,), dtype=jnp.float32)
    return {"x": x, "edge_index": edge_index, "W_gcn": W_gcn, "b_gcn": b_gcn,
            "conv_w": conv_w, "conv_b": conv_b, "fc_w": fc_w, "fc_b": fc_b}


def reference(x, edge_index, W_gcn, b_gcn, conv_w, conv_b, fc_w, fc_b):
    N = x.shape[0]
    # --- GCNConv with added self-loops and symmetric normalization (PyG default) ---
    loop = jnp.arange(N, dtype=edge_index.dtype)
    src = jnp.concatenate([edge_index[0], loop])
    dst = jnp.concatenate([edge_index[1], loop])
    deg = jnp.zeros((N,), dtype=x.dtype).at[dst].add(1.0)
    dinv = jnp.where(deg > 0, deg ** -0.5, 0.0)
    norm = dinv[src] * dinv[dst]
    h = x @ W_gcn                                    # [N, 16]
    msg = h[src] * norm[:, None]                     # gather over edges
    out = jnp.zeros((N, h.shape[1]), dtype=x.dtype).at[dst].add(msg) + b_gcn
    out = jax.nn.relu(out)
    # --- x.view(1, 16, -1): raw row-major reshape, same semantics as torch .view ---
    z = out.reshape(1, 16, -1)
    # --- Conv1d(16, 32, k=3, padding=1) ---
    z = jax.lax.conv_general_dilated(
        z, conv_w, window_strides=(1,), padding=[(1, 1)],
        dimension_numbers=("NCH", "OIH", "NCH")) + conv_b[None, :, None]
    z = jax.nn.relu(z)
    z = z.mean(axis=2)                               # [1, 32]
    y = (z @ fc_w.T + fc_b).reshape(-1)              # [1]
    return jax.nn.sigmoid(y)

if __name__ == "__main__":
    import jax
    _d = setup_inputs()
    print(jax.jit(kernel)(*tuple(_d.values())))

</pallas_src>

<mosaic_0001>
#map = affine_map<(d0, d1) -> (0)>
#map1 = affine_map<(d0, d1) -> (0, 0, 0)>
#map2 = affine_map<(d0, d1) -> (0, 0)>
module attributes {stable_mosaic.version = 14 : i64} {
  func.func @_sc_msg_body(%arg0: i32, %arg1: i32, %arg2: memref<3200000xi32, #tpu.memory_space<hbm>>, %arg3: memref<3200000xi32, #tpu.memory_space<hbm>>, %arg4: memref<2x102400x4xf32, #tpu.memory_space<hbm>>, %arg5: memref<3200x128xf32, #tpu.memory_space<hbm>>, %arg6: memref<2x3200x128xf32, #tpu.memory_space<hbm>>, %arg7: memref<2000xi32, #tpu.memory_space<vmem>>, %arg8: memref<2000xi32, #tpu.memory_space<vmem>>, %arg9: memref<2000x4xf32, #tpu.memory_space<vmem>>, %arg10: memref<25x128xf32, #tpu.memory_space<vmem>>, %arg11: memref<25x128xf32, #tpu.memory_space<vmem>>, %arg12: memref<800x4xf32, #tpu.memory_space<vmem>>, %arg13: memref<800x4xf32, #tpu.memory_space<vmem>>, %arg14: memref<800x4xf32, #tpu.memory_space<vmem>>, %arg15: memref<50x128xf32, #tpu.memory_space<vmem>>, %arg16: memref<102400x4xf32, #tpu.memory_space<vmem_shared>>, %arg17: memref<102400x4xf32, #tpu.memory_space<vmem_shared>>, %arg18: memref<!tpu.dma_semaphore, #tpu.memory_space<semaphore_mem>>) attributes {dimension_semantics = [#tpu.dimension_semantics<core_parallel>, #tpu.dimension_semantics<subcore_parallel>], iteration_bounds = array<i64: 2, 16>, scalar_prefetch = 0 : i64, scratch_operands = 12 : i64, tpu.core_type = #tpu.core_type<sc_vector_subcore>, window_params = [{transform_indices = #map}, {transform_indices = #map}, {transform_indices = #map1}, {transform_indices = #map2}, {transform_indices = #map1}]} {
    %mul3A = arith.constant 16 : i32
    %mul3A_0 = arith.muli %arg0, %mul3A : i32
    %add3A = arith.addi %mul3A_0, %arg1 : i32
    %mul3A_1 = arith.constant 6400 : i32
    %mul3A_2 = arith.muli %arg1, %mul3A_1 : i32
    %mul3A_3 = arith.constant 200 : i32
    %mul3A_4 = arith.muli %arg1, %mul3A_3 : i32
    %iota3A = tpu.iota {dimensions = array<i32: 0>} : vector<16xi32>
    %shift_right_arithmetic3A = arith.constant 2 : i32
    %shift_right_arithmetic3A_5 = vector.broadcast %shift_right_arithmetic3A : i32 to vector<16xi32>
    %shift_right_arithmetic3A_6 = arith.shrsi %iota3A, %shift_right_arithmetic3A_5 : vector<16xi32>
    %and3A = arith.constant 3 : i32
    %and3A_7 = vector.broadcast %and3A : i32 to vector<16xi32>
    %and3A_8 = arith.andi %iota3A, %and3A_7 : vector<16xi32>
    %iota3A_9 = tpu.iota {dimensions = array<i32: 0>} : vector<16xi32>
    %shift_right_arithmetic3A_10 = arith.constant 2 : i32
    %shift_right_arithmetic3A_11 = vector.broadcast %shift_right_arithmetic3A_10 : i32 to vector<16xi32>
    %shift_right_arithmetic3A_12 = arith.shrsi %iota3A_9, %shift_right_arithmetic3A_11 : vector<16xi32>
    %and3A_13 = arith.constant 3 : i32
    %and3A_14 = vector.broadcast %and3A_13 : i32 to vector<16xi32>
    %and3A_15 = arith.andi %iota3A_9, %and3A_14 : vector<16xi32>
    %broadcast_in_dim3A = arith.constant 0.000000e+00 : f32
    %broadcast_in_dim3A_16 = vector.broadcast %broadcast_in_dim3A : f32 to vector<16xf32>
    %scan3A = arith.constant 0 : i32
    %scan3A_17 = arith.constant 0 : i32
    %scan3A_18 = arith.constant 200 : i32
    %scan3A_19 = arith.addi %scan3A_17, %scan3A_18 : i32
    %scan3A_20 = arith.constant 1 : i32
    scf.for %scan3A_59 = %scan3A_17 to %scan3A_19 step %scan3A_20  : i32 {
      %mul3A_60 = arith.constant 4 : i32
      %mul3A_61 = arith.muli %scan3A_59, %mul3A_60 : i32
      %add3A_62 = vector.broadcast %mul3A_61 : i32 to vector<16xi32>
      %add3A_63 = arith.addi %shift_right_arithmetic3A_12, %add3A_62 : vector<16xi32>
      tpu.vector_store_idx %arg14[%add3A_63, %and3A_15], %broadcast_in_dim3A_16 : memref<800x4xf32, #tpu.memory_space<vmem>>[vector<16xi32>, vector<16xi32>], vector<16xf32>,
    }
    %scan3A_21 = arith.constant 200 : i32
    %add3A_22 = arith.constant 0 : i32
    %add3A_23 = arith.addi %mul3A_2, %add3A_22 : i32
    "tpu.region"() ({
      %run_scoped3A = tpu.sem_alloc : memref<!tpu.dma_semaphore, #tpu.memory_space<semaphore_mem>>
      %dma_start3A = arith.constant 0 : i32
      %dma_start3A_59 = tpu.memref_slice %arg17[%add3A_23, %dma_start3A] : memref<102400x4xf32, #tpu.memory_space<vmem_shared>> -> memref<800x4xf32, #tpu.memory_space<vmem_shared>>
      %dma_start3A_60 = arith.constant 0 : i32
      %dma_start3A_61 = tpu.memref_slice %arg17[%add3A_23, %dma_start3A_60] : memref<102400x4xf32, #tpu.memory_space<vmem_shared>> -> memref<800x4xf32, #tpu.memory_space<vmem_shared>>
      tpu.enqueue_dma source(%arg14 : memref<800x4xf32, #tpu.memory_space<vmem>>) target(%dma_start3A_61 : memref<800x4xf32, #tpu.memory_space<vmem_shared>>) target_semaphore(%run_scoped3A : memref<!tpu.dma_semaphore, #tpu.memory_space<semaphore_mem>>)
      %dma_wait3A = arith.constant 0 : i32
      %dma_wait3A_62 = tpu.memref_slice %arg17[%add3A_23, %dma_wait3A] : memref<102400x4xf32, #tpu.memory_space<vmem_shared>> -> memref<800x4xf32, #tpu.memory_space<vmem_shared>>
      %dma_wait3A_63 = arith.constant 0 : i32
      %dma_wait3A_64 = tpu.memref_slice %arg17[%add3A_23, %dma_wait3A_63] : memref<102400x4xf32, #tpu.memory_space<vmem_shared>> -> memref<800x4xf32, #tpu.memory_space<vmem_shared>>
      tpu.wait_dma2 semaphore(%run_scoped3A : memref<!tpu.dma_semaphore, #tpu.memory_space<semaphore_mem>>) src(%arg14 : memref<800x4xf32, #tpu.memory_space<vmem>>) dst(%dma_wait3A_64 : memref<800x4xf32, #tpu.memory_space<vmem_shared>>)
      tpu.yield
    }) : () -> ()
    %add3A_24 = arith.constant 800 : i32
    %add3A_25 = arith.addi %mul3A_2, %add3A_24 : i32
    "tpu.region"() ({
      %run_scoped3A = tpu.sem_alloc : memref<!tpu.dma_semaphore, #tpu.memory_space<semaphore_mem>>
      %dma_start3A = arith.constant 0 : i32
      %dma_start3A_59 = tpu.memref_slice %arg17[%add3A_25, %dma_start3A] : memref<102400x4xf32, #tpu.memory_space<vmem_shared>> -> memref<800x4xf32, #tpu.memory_space<vmem_shared>>
      %dma_start3A_60 = arith.constant 0 : i32
      %dma_start3A_61 = tpu.memref_slice %arg17[%add3A_25, %dma_start3A_60] : memref<102400x4xf32, #tpu.memory_space<vmem_shared>> -> memref<800x4xf32, #tpu.memory_space<vmem_shared>>
      tpu.enqueue_dma source(%arg14 : memref<800x4xf32, #tpu.memory_space<vmem>>) target(%dma_start3A_61 : memref<800x4xf32, #tpu.memory_space<vmem_shared>>) target_semaphore(%run_scoped3A : memref<!tpu.dma_semaphore, #tpu.memory_space<semaphore_mem>>)
      %dma_wait3A = arith.constant 0 : i32
      %dma_wait3A_62 = tpu.memref_slice %arg17[%add3A_25, %dma_wait3A] : memref<102400x4xf32, #tpu.memory_space<vmem_shared>> -> memref<800x4xf32, #tpu.memory_space<vmem_shared>>
      %dma_wait3A_63 = arith.constant 0 : i32
      %dma_wait3A_64 = tpu.memref_slice %arg17[%add3A_25, %dma_wait3A_63] : memref<102400x4xf32, #tpu.memory_space<vmem_shared>> -> memref<800x4xf32, #tpu.memory_space<vmem_shared>>
      tpu.wait_dma2 semaphore(%run_scoped3A : memref<!tpu.dma_semaphore, #tpu.memory_space<semaphore_mem>>) src(%arg14 : memref<800x4xf32, #tpu.memory_space<vmem>>) dst(%dma_wait3A_64 : memref<800x4xf32, #tpu.memory_space<vmem_shared>>)
      tpu.yield
    }) : () -> ()
    %add3A_26 = arith.constant 1600 : i32
    %add3A_27 = arith.addi %mul3A_2, %add3A_26 : i32
    "tpu.region"() ({
      %run_scoped3A = tpu.sem_alloc : memref<!tpu.dma_semaphore, #tpu.memory_space<semaphore_mem>>
      %dma_start3A = arith.constant 0 : i32
      %dma_start3A_59 = tpu.memref_slice %arg17[%add3A_27, %dma_start3A] : memref<102400x4xf32, #tpu.memory_space<vmem_shared>> -> memref<800x4xf32, #tpu.memory_space<vmem_shared>>
      %dma_start3A_60 = arith.constant 0 : i32
      %dma_start3A_61 = tpu.memref_slice %arg17[%add3A_27, %dma_start3A_60] : memref<102400x4xf32, #tpu.memory_space<vmem_shared>> -> memref<800x4xf32, #tpu.memory_space<vmem_shared>>
      tpu.enqueue_dma source(%arg14 : memref<800x4xf32, #tpu.memory_space<vmem>>) target(%dma_start3A_61 : memref<800x4xf32, #tpu.memory_space<vmem_shared>>) target_semaphore(%run_scoped3A : memref<!tpu.dma_semaphore, #tpu.memory_space<semaphore_mem>>)
      %dma_wait3A = arith.constant 0 : i32
      %dma_wait3A_62 = tpu.memref_slice %arg17[%add3A_27, %dma_wait3A] : memref<102400x4xf32, #tpu.memory_space<vmem_shared>> -> memref<800x4xf32, #tpu.memory_space<vmem_shared>>
      %dma_wait3A_63 = arith.constant 0 : i32
      %dma_wait3A_64 = tpu.memref_slice %arg17[%add3A_27, %dma_wait3A_63] : memref<102400x4xf32, #tpu.memory_space<vmem_shared>> -> memref<800x4xf32, #tpu.memory_space<vmem_shared>>
      tpu.wait_dma2 semaphore(%run_scoped3A : memref<!tpu.dma_semaphore, #tpu.memory_space<semaphore_mem>>) src(%arg14 : memref<800x4xf32, #tpu.memory_space<vmem>>) dst(%dma_wait3A_64 : memref<800x4xf32, #tpu.memory_space<vmem_shared>>)
      tpu.yield
    }) : () -> ()
    %add3A_28 = arith.constant 2400 : i32
    %add3A_29 = arith.addi %mul3A_2, %add3A_28 : i32
    "tpu.region"() ({
      %run_scoped3A = tpu.sem_alloc : memref<!tpu.dma_semaphore, #tpu.memory_space<semaphore_mem>>
      %dma_start3A = arith.constant 0 : i32
      %dma_start3A_59 = tpu.memref_slice %arg17[%add3A_29, %dma_start3A] : memref<102400x4xf32, #tpu.memory_space<vmem_shared>> -> memref<800x4xf32, #tpu.memory_space<vmem_shared>>
      %dma_start3A_60 = arith.constant 0 : i32
      %dma_start3A_61 = tpu.memref_slice %arg17[%add3A_29, %dma_start3A_60] : memref<102400x4xf32, #tpu.memory_space<vmem_shared>> -> memref<800x4xf32, #tpu.memory_space<vmem_shared>>
      tpu.enqueue_dma source(%arg14 : memref<800x4xf32, #tpu.memory_space<vmem>>) target(%dma_start3A_61 : memref<800x4xf32, #tpu.memory_space<vmem_shared>>) target_semaphore(%run_scoped3A : memref<!tpu.dma_semaphore, #tpu.memory_space<semaphore_mem>>)
      %dma_wait3A = arith.constant 0 : i32
      %dma_wait3A_62 = tpu.memref_slice %arg17[%add3A_29, %dma_wait3A] : memref<102400x4xf32, #tpu.memory_space<vmem_shared>> -> memref<800x4xf32, #tpu.memory_space<vmem_shared>>
      %dma_wait3A_63 = arith.constant 0 : i32
      %dma_wait3A_64 = tpu.memref_slice %arg17[%add3A_29, %dma_wait3A_63] : memref<102400x4xf32, #tpu.memory_space<vmem_shared>> -> memref<800x4xf32, #tpu.memory_space<vmem_shared>>
      tpu.wait_dma2 semaphore(%run_scoped3A : memref<!tpu.dma_semaphore, #tpu.memory_space<semaphore_mem>>) src(%arg14 : memref<800x4xf32, #tpu.memory_space<vmem>>) dst(%dma_wait3A_64 : memref<800x4xf32, #tpu.memory_space<vmem_shared>>)
      tpu.yield
    }) : () -> ()
    %add3A_30 = arith.constant 3200 : i32
    %add3A_31 = arith.addi %mul3A_2, %add3A_30 : i32
    "tpu.region"() ({
      %run_scoped3A = tpu.sem_alloc : memref<!tpu.dma_semaphore, #tpu.memory_space<semaphore_mem>>
      %dma_start3A = arith.constant 0 : i32
      %dma_start3A_59 = tpu.memref_slice %arg17[%add3A_31, %dma_start3A] : memref<102400x4xf32, #tpu.memory_space<vmem_shared>> -> memref<800x4xf32, #tpu.memory_space<vmem_shared>>
      %dma_start3A_60 = arith.constant 0 : i32
      %dma_start3A_61 = tpu.memref_slice %arg17[%add3A_31, %dma_start3A_60] : memref<102400x4xf32, #tpu.memory_space<vmem_shared>> -> memref<800x4xf32, #tpu.memory_space<vmem_shared>>
      tpu.enqueue_dma source(%arg14 : memref<800x4xf32, #tpu.memory_space<vmem>>) target(%dma_start3A_61 : memref<800x4xf32, #tpu.memory_space<vmem_shared>>) target_semaphore(%run_scoped3A : memref<!tpu.dma_semaphore, #tpu.memory_space<semaphore_mem>>)
      %dma_wait3A = arith.constant 0 : i32
      %dma_wait3A_62 = tpu.memref_slice %arg17[%add3A_31, %dma_wait3A] : memref<102400x4xf32, #tpu.memory_space<vmem_shared>> -> memref<800x4xf32, #tpu.memory_space<vmem_shared>>
      %dma_wait3A_63 = arith.constant 0 : i32
      %dma_wait3A_64 = tpu.memref_slice %arg17[%add3A_31, %dma_wait3A_63] : memref<102400x4xf32, #tpu.memory_space<vmem_shared>> -> memref<800x4xf32, #tpu.memory_space<vmem_shared>>
      tpu.wait_dma2 semaphore(%run_scoped3A : memref<!tpu.dma_semaphore, #tpu.memory_space<semaphore_mem>>) src(%arg14 : memref<800x4xf32, #tpu.memory_space<vmem>>) dst(%dma_wait3A_64 : memref<800x4xf32, #tpu.memory_space<vmem_shared>>)
      tpu.yield
    }) : () -> ()
    %add3A_32 = arith.constant 4000 : i32
    %add3A_33 = arith.addi %mul3A_2, %add3A_32 : i32
    "tpu.region"() ({
      %run_scoped3A = tpu.sem_alloc : memref<!tpu.dma_semaphore, #tpu.memory_space<semaphore_mem>>
      %dma_start3A = arith.constant 0 : i32
      %dma_start3A_59 = tpu.memref_slice %arg17[%add3A_33, %dma_start3A] : memref<102400x4xf32, #tpu.memory_space<vmem_shared>> -> memref<800x4xf32, #tpu.memory_space<vmem_shared>>
      %dma_start3A_60 = arith.constant 0 : i32
      %dma_start3A_61 = tpu.memref_slice %arg17[%add3A_33, %dma_start3A_60] : memref<102400x4xf32, #tpu.memory_space<vmem_shared>> -> memref<800x4xf32, #tpu.memory_space<vmem_shared>>
      tpu.enqueue_dma source(%arg14 : memref<800x4xf32, #tpu.memory_space<vmem>>) target(%dma_start3A_61 : memref<800x4xf32, #tpu.memory_space<vmem_shared>>) target_semaphore(%run_scoped3A : memref<!tpu.dma_semaphore, #tpu.memory_space<semaphore_mem>>)
      %dma_wait3A = arith.constant 0 : i32
      %dma_wait3A_62 = tpu.memref_slice %arg17[%add3A_33, %dma_wait3A] : memref<102400x4xf32, #tpu.memory_space<vmem_shared>> -> memref<800x4xf32, #tpu.memory_space<vmem_shared>>
      %dma_wait3A_63 = arith.constant 0 : i32
      %dma_wait3A_64 = tpu.memref_slice %arg17[%add3A_33, %dma_wait3A_63] : memref<102400x4xf32, #tpu.memory_space<vmem_shared>> -> memref<800x4xf32, #tpu.memory_space<vmem_shared>>
      tpu.wait_dma2 semaphore(%run_scoped3A : memref<!tpu.dma_semaphore, #tpu.memory_space<semaphore_mem>>) src(%arg14 : memref<800x4xf32, #tpu.memory_space<vmem>>) dst(%dma_wait3A_64 : memref<800x4xf32, #tpu.memory_space<vmem_shared>>)
      tpu.yield
    }) : () -> ()
    %add3A_34 = arith.constant 4800 : i32
    %add3A_35 = arith.addi %mul3A_2, %add3A_34 : i32
    "tpu.region"() ({
      %run_scoped3A = tpu.sem_alloc : memref<!tpu.dma_semaphore, #tpu.memory_space<semaphore_mem>>
      %dma_start3A = arith.constant 0 : i32
      %dma_start3A_59 = tpu.memref_slice %arg17[%add3A_35, %dma_start3A] : memref<102400x4xf32, #tpu.memory_space<vmem_shared>> -> memref<800x4xf32, #tpu.memory_space<vmem_shared>>
      %dma_start3A_60 = arith.constant 0 : i32
      %dma_start3A_61 = tpu.memref_slice %arg17[%add3A_35, %dma_start3A_60] : memref<102400x4xf32, #tpu.memory_space<vmem_shared>> -> memref<800x4xf32, #tpu.memory_space<vmem_shared>>
      tpu.enqueue_dma source(%arg14 : memref<800x4xf32, #tpu.memory_space<vmem>>) target(%dma_start3A_61 : memref<800x4xf32, #tpu.memory_space<vmem_shared>>) target_semaphore(%run_scoped3A : memref<!tpu.dma_semaphore, #tpu.memory_space<semaphore_mem>>)
      %dma_wait3A = arith.constant 0 : i32
      %dma_wait3A_62 = tpu.memref_slice %arg17[%add3A_35, %dma_wait3A] : memref<102400x4xf32, #tpu.memory_space<vmem_shared>> -> memref<800x4xf32, #tpu.memory_space<vmem_shared>>
      %dma_wait3A_63 = arith.constant 0 : i32
      %dma_wait3A_64 = tpu.memref_slice %arg17[%add3A_35, %dma_wait3A_63] : memref<102400x4xf32, #tpu.memory_space<vmem_shared>> -> memref<800x4xf32, #tpu.memory_space<vmem_shared>>
      tpu.wait_dma2 semaphore(%run_scoped3A : memref<!tpu.dma_semaphore, #tpu.memory_space<semaphore_mem>>) src(%arg14 : memref<800x4xf32, #tpu.memory_space<vmem>>) dst(%dma_wait3A_64 : memref<800x4xf32, #tpu.memory_space<vmem_shared>>)
      tpu.yield
    }) : () -> ()
    %add3A_36 = arith.constant 5600 : i32
    %add3A_37 = arith.addi %mul3A_2, %add3A_36 : i32
    "tpu.region"() ({
      %run_scoped3A = tpu.sem_alloc : memref<!tpu.dma_semaphore, #tpu.memory_space<semaphore_mem>>
      %dma_start3A = arith.constant 0 : i32
      %dma_start3A_59 = tpu.memref_slice %arg17[%add3A_37, %dma_start3A] : memref<102400x4xf32, #tpu.memory_space<vmem_shared>> -> memref<800x4xf32, #tpu.memory_space<vmem_shared>>
      %dma_start3A_60 = arith.constant 0 : i32
      %dma_start3A_61 = tpu.memref_slice %arg17[%add3A_37, %dma_start3A_60] : memref<102400x4xf32, #tpu.memory_space<vmem_shared>> -> memref<800x4xf32, #tpu.memory_space<vmem_shared>>
      tpu.enqueue_dma source(%arg14 : memref<800x4xf32, #tpu.memory_space<vmem>>) target(%dma_start3A_61 : memref<800x4xf32, #tpu.memory_space<vmem_shared>>) target_semaphore(%run_scoped3A : memref<!tpu.dma_semaphore, #tpu.memory_space<semaphore_mem>>)
      %dma_wait3A = arith.constant 0 : i32
      %dma_wait3A_62 = tpu.memref_slice %arg17[%add3A_37, %dma_wait3A] : memref<102400x4xf32, #tpu.memory_space<vmem_shared>> -> memref<800x4xf32, #tpu.memory_space<vmem_shared>>
      %dma_wait3A_63 = arith.constant 0 : i32
      %dma_wait3A_64 = tpu.memref_slice %arg17[%add3A_37, %dma_wait3A_63] : memref<102400x4xf32, #tpu.memory_space<vmem_shared>> -> memref<800x4xf32, #tpu.memory_space<vmem_shared>>
      tpu.wait_dma2 semaphore(%run_scoped3A : memref<!tpu.dma_semaphore, #tpu.memory_space<semaphore_mem>>) src(%arg14 : memref<800x4xf32, #tpu.memory_space<vmem>>) dst(%dma_wait3A_64 : memref<800x4xf32, #tpu.memory_space<vmem_shared>>)
      tpu.yield
    }) : () -> ()
    %scan3A_38 = arith.constant 0 : i32
    %scan3A_39 = arith.constant 0 : i32
    %scan3A_40 = arith.constant 8 : i32
    %scan3A_41 = arith.addi %scan3A_39, %scan3A_40 : i32
    %scan3A_42 = arith.constant 1 : i32
    scf.for %scan3A_59 = %scan3A_39 to %scan3A_41 step %scan3A_42  : i32 {
      %mul3A_60 = arith.constant 800 : i32
      %mul3A_61 = arith.muli %scan3A_59, %mul3A_60 : i32
      %add3A_62 = arith.addi %mul3A_2, %mul3A_61 : i32
      %run_scoped3A = arith.constant 0 : i32
      "tpu.region"() ({
        %run_scoped3A_79 = tpu.sem_alloc : memref<!tpu.dma_semaphore, #tpu.memory_space<semaphore_mem>>
        %dma_start3A = arith.constant 0 : i32
        %dma_start3A_80 = tpu.memref_slice %arg4[%run_scoped3A, %add3A_62, %dma_start3A] : memref<2x102400x4xf32, #tpu.memory_space<hbm>> -> memref<1x800x4xf32, #tpu.memory_space<hbm>>
        %dma_start3A_81 = tpu.memref_squeeze %dma_start3A_80 : memref<1x800x4xf32, #tpu.memory_space<hbm>> -> memref<800x4xf32, #tpu.memory_space<hbm>>
        %dma_start3A_82 = arith.constant 0 : i32
        %dma_start3A_83 = tpu.memref_slice %arg4[%run_scoped3A, %add3A_62, %dma_start3A_82] : memref<2x102400x4xf32, #tpu.memory_space<hbm>> -> memref<1x800x4xf32, #tpu.memory_space<hbm>>
        %dma_start3A_84 = tpu.memref_squeeze %dma_start3A_83 : memref<1x800x4xf32, #tpu.memory_space<hbm>> -> memref<800x4xf32, #tpu.memory_space<hbm>>
        tpu.enqueue_dma source(%dma_start3A_84 : memref<800x4xf32, #tpu.memory_space<hbm>>) target(%arg12 : memref<800x4xf32, #tpu.memory_space<vmem>>) target_semaphore(%run_scoped3A_79 : memref<!tpu.dma_semaphore, #tpu.memory_space<semaphore_mem>>)
        %dma_wait3A = arith.constant 0 : i32
        %dma_wait3A_85 = tpu.memref_slice %arg4[%run_scoped3A, %add3A_62, %dma_wait3A] : memref<2x102400x4xf32, #tpu.memory_space<hbm>> -> memref<1x800x4xf32, #tpu.memory_space<hbm>>
        %dma_wait3A_86 = tpu.memref_squeeze %dma_wait3A_85 : memref<1x800x4xf32, #tpu.memory_space<hbm>> -> memref<800x4xf32, #tpu.memory_space<hbm>>
        %dma_wait3A_87 = arith.constant 0 : i32
        %dma_wait3A_88 = tpu.memref_slice %arg4[%run_scoped3A, %add3A_62, %dma_wait3A_87] : memref<2x102400x4xf32, #tpu.memory_space<hbm>> -> memref<1x800x4xf32, #tpu.memory_space<hbm>>
        %dma_wait3A_89 = tpu.memref_squeeze %dma_wait3A_88 : memref<1x800x4xf32, #tpu.memory_space<hbm>> -> memref<800x4xf32, #tpu.memory_space<hbm>>
        tpu.wait_dma2 semaphore(%run_scoped3A_79 : memref<!tpu.dma_semaphore, #tpu.memory_space<semaphore_mem>>) src(%dma_wait3A_89 : memref<800x4xf32, #tpu.memory_space<hbm>>) dst(%arg12 : memref<800x4xf32, #tpu.memory_space<vmem>>)
        tpu.yield
      }) : () -> ()
      %mul3A_63 = arith.constant 800 : i32
      %mul3A_64 = arith.muli %scan3A_59, %mul3A_63 : i32
      %add3A_65 = arith.addi %mul3A_2, %mul3A_64 : i32
      %run_scoped3A_66 = arith.constant 1 : i32
      "tpu.region"() ({
        %run_scoped3A_79 = tpu.sem_alloc : memref<!tpu.dma_semaphore, #tpu.memory_space<semaphore_mem>>
        %dma_start3A = arith.constant 0 : i32
        %dma_start3A_80 = tpu.memref_slice %arg4[%run_scoped3A_66, %add3A_65, %dma_start3A] : memref<2x102400x4xf32, #tpu.memory_space<hbm>> -> memref<1x800x4xf32, #tpu.memory_space<hbm>>
        %dma_start3A_81 = tpu.memref_squeeze %dma_start3A_80 : memref<1x800x4xf32, #tpu.memory_space<hbm>> -> memref<800x4xf32, #tpu.memory_space<hbm>>
        %dma_start3A_82 = arith.constant 0 : i32
        %dma_start3A_83 = tpu.memref_slice %arg4[%run_scoped3A_66, %add3A_65, %dma_start3A_82] : memref<2x102400x4xf32, #tpu.memory_space<hbm>> -> memref<1x800x4xf32, #tpu.memory_space<hbm>>
        %dma_start3A_84 = tpu.memref_squeeze %dma_start3A_83 : memref<1x800x4xf32, #tpu.memory_space<hbm>> -> memref<800x4xf32, #tpu.memory_space<hbm>>
        tpu.enqueue_dma source(%dma_start3A_84 : memref<800x4xf32, #tpu.memory_space<hbm>>) target(%arg13 : memref<800x4xf32, #tpu.memory_space<vmem>>) target_semaphore(%run_scoped3A_79 : memref<!tpu.dma_semaphore, #tpu.memory_space<semaphore_mem>>)
        %dma_wait3A = arith.constant 0 : i32
        %dma_wait3A_85 = tpu.memref_slice %arg4[%run_scoped3A_66, %add3A_65, %dma_wait3A] : memref<2x102400x4xf32, #tpu.memory_space<hbm>> -> memref<1x800x4xf32, #tpu.memory_space<hbm>>
        %dma_wait3A_86 = tpu.memref_squeeze %dma_wait3A_85 : memref<1x800x4xf32, #tpu.memory_space<hbm>> -> memref<800x4xf32, #tpu.memory_space<hbm>>
        %dma_wait3A_87 = arith.constant 0 : i32
        %dma_wait3A_88 = tpu.memref_slice %arg4[%run_scoped3A_66, %add3A_65, %dma_wait3A_87] : memref<2x102400x4xf32, #tpu.memory_space<hbm>> -> memref<1x800x4xf32, #tpu.memory_space<hbm>>
        %dma_wait3A_89 = tpu.memref_squeeze %dma_wait3A_88 : memref<1x800x4xf32, #tpu.memory_space<hbm>> -> memref<800x4xf32, #tpu.memory_space<hbm>>
        tpu.wait_dma2 semaphore(%run_scoped3A_79 : memref<!tpu.dma_semaphore, #tpu.memory_space<semaphore_mem>>) src(%dma_wait3A_89 : memref<800x4xf32, #tpu.memory_space<hbm>>) dst(%arg13 : memref<800x4xf32, #tpu.memory_space<vmem>>)
        tpu.yield
      }) : () -> ()
      %mul3A_67 = arith.constant 25 : i32
      %mul3A_68 = arith.muli %scan3A_59, %mul3A_67 : i32
      %add3A_69 = arith.addi %mul3A_4, %mul3A_68 : i32
      "tpu.region"() ({
        %run_scoped3A_79 = tpu.sem_alloc : memref<!tpu.dma_semaphore, #tpu.memory_space<semaphore_mem>>
        %dma_start3A = arith.constant 0 : i32
        %dma_start3A_80 = tpu.memref_slice %arg5[%add3A_69, %dma_start3A] : memref<3200x128xf32, #tpu.memory_space<hbm>> -> memref<25x128xf32, #tpu.memory_space<hbm>>
        %dma_start3A_81 = arith.constant 0 : i32
        %dma_start3A_82 = tpu.memref_slice %arg5[%add3A_69, %dma_start3A_81] : memref<3200x128xf32, #tpu.memory_space<hbm>> -> memref<25x128xf32, #tpu.memory_space<hbm>>
        tpu.enqueue_dma source(%dma_start3A_82 : memref<25x128xf32, #tpu.memory_space<hbm>>) target(%arg10 : memref<25x128xf32, #tpu.memory_space<vmem>>) target_semaphore(%run_scoped3A_79 : memref<!tpu.dma_semaphore, #tpu.memory_space<semaphore_mem>>)
        %dma_wait3A = arith.constant 0 : i32
        %dma_wait3A_83 = tpu.memref_slice %arg5[%add3A_69, %dma_wait3A] : memref<3200x128xf32, #tpu.memory_space<hbm>> -> memref<25x128xf32, #tpu.memory_space<hbm>>
        %dma_wait3A_84 = arith.constant 0 : i32
        %dma_wait3A_85 = tpu.memref_slice %arg5[%add3A_69, %dma_wait3A_84] : memref<3200x128xf32, #tpu.memory_space<hbm>> -> memref<25x128xf32, #tpu.memory_space<hbm>>
        tpu.wait_dma2 semaphore(%run_scoped3A_79 : memref<!tpu.dma_semaphore, #tpu.memory_space<semaphore_mem>>) src(%dma_wait3A_85 : memref<25x128xf32, #tpu.memory_space<hbm>>) dst(%arg10 : memref<25x128xf32, #tpu.memory_space<vmem>>)
        tpu.yield
      }) : () -> ()
      %scan3A_70 = arith.constant 0 : i32
      %scan3A_71 = arith.constant 0 : i32
      %scan3A_72 = arith.constant 200 : i32
      %scan3A_73 = arith.addi %scan3A_71, %scan3A_72 : i32
      %scan3A_74 = arith.constant 1 : i32
      scf.for %scan3A_79 = %scan3A_71 to %scan3A_73 step %scan3A_74  : i32 {
        %mul3A_80 = arith.constant 4 : i32
        %mul3A_81 = arith.muli %scan3A_79, %mul3A_80 : i32
        %add3A_82 = vector.broadcast %mul3A_81 : i32 to vector<16xi32>
        %add3A_83 = arith.addi %shift_right_arithmetic3A_6, %add3A_82 : vector<16xi32>
        %gather3A = tpu.vector_load_idx %arg12[%add3A_83, %and3A_8] : memref<800x4xf32, #tpu.memory_space<vmem>>[vector<16xi32>, vector<16xi32>], vector<16xf32>,
        %gather3A_84 = tpu.vector_load_idx %arg13[%add3A_83, %and3A_8] : memref<800x4xf32, #tpu.memory_space<vmem>>[vector<16xi32>, vector<16xi32>], vector<16xf32>,
        %add3A_85 = arith.addf %gather3A, %gather3A_84 : vector<16xf32>
        %add3A_86 = arith.constant 1.000000e+00 : f32
        %add3A_87 = vector.broadcast %add3A_86 : f32 to vector<16xf32>
        %add3A_88 = arith.addf %add3A_85, %add3A_87 : vector<16xf32>
        %bitcast3A = vector.bitcast %add3A_88 : vector<16xf32> to vector<16xi32>
        %shift_right_arithmetic3A_89 = arith.constant 1 : i32
        %shift_right_arithmetic3A_90 = vector.broadcast %shift_right_arithmetic3A_89 : i32 to vector<16xi32>
        %shift_right_arithmetic3A_91 = arith.shrsi %bitcast3A, %shift_right_arithmetic3A_90 : vector<16xi32>
        %sub3A = arith.constant 1597463007 : i32
        %sub3A_92 = vector.broadcast %sub3A : i32 to vector<16xi32>
        %sub3A_93 = arith.subi %sub3A_92, %shift_right_arithmetic3A_91 : vector<16xi32>
        %bitcast3A_94 = vector.bitcast %sub3A_93 : vector<16xi32> to vector<16xf32>
        %mul3A_95 = arith.constant 5.000000e-01 : f32
        %mul3A_96 = vector.broadcast %mul3A_95 : f32 to vector<16xf32>
        %mul3A_97 = arith.mulf %mul3A_96, %add3A_88 : vector<16xf32>
        %mul3A_98 = arith.mulf %mul3A_97, %bitcast3A_94 : vector<16xf32>
        %mul3A_99 = arith.mulf %mul3A_98, %bitcast3A_94 : vector<16xf32>
        %sub3A_100 = arith.constant 1.500000e+00 : f32
        %sub3A_101 = vector.broadcast %sub3A_100 : f32 to vector<16xf32>
        %sub3A_102 = arith.subf %sub3A_101, %mul3A_99 : vector<16xf32>
        %mul3A_103 = arith.mulf %bitcast3A_94, %sub3A_102 : vector<16xf32>
        %mul3A_104 = arith.constant 5.000000e-01 : f32
        %mul3A_105 = vector.broadcast %mul3A_104 : f32 to vector<16xf32>
        %mul3A_106 = arith.mulf %mul3A_105, %add3A_88 : vector<16xf32>
        %mul3A_107 = arith.mulf %mul3A_106, %mul3A_103 : vector<16xf32>
        %mul3A_108 = arith.mulf %mul3A_107, %mul3A_103 : vector<16xf32>
        %sub3A_109 = arith.constant 1.500000e+00 : f32
        %sub3A_110 = vector.broadcast %sub3A_109 : f32 to vector<16xf32>
        %sub3A_111 = arith.subf %sub3A_110, %mul3A_108 : vector<16xf32>
        %mul3A_112 = arith.mulf %mul3A_103, %sub3A_111 : vector<16xf32>
        %mul3A_113 = arith.constant 5.000000e-01 : f32
        %mul3A_114 = vector.broadcast %mul3A_113 : f32 to vector<16xf32>
        %mul3A_115 = arith.mulf %mul3A_114, %add3A_88 : vector<16xf32>
        %mul3A_116 = arith.mulf %mul3A_115, %mul3A_112 : vector<16xf32>
        %mul3A_117 = arith.mulf %mul3A_116, %mul3A_112 : vector<16xf32>
        %sub3A_118 = arith.constant 1.500000e+00 : f32
        %sub3A_119 = vector.broadcast %sub3A_118 : f32 to vector<16xf32>
        %sub3A_120 = arith.subf %sub3A_119, %mul3A_117 : vector<16xf32>
        %mul3A_121 = arith.mulf %mul3A_112, %sub3A_120 : vector<16xf32>
        %shift_right_arithmetic3A_122 = arith.constant 3 : i32
        %shift_right_arithmetic3A_123 = arith.shrsi %scan3A_79, %shift_right_arithmetic3A_122 : i32
        %and3A_124 = arith.constant 7 : i32
        %and3A_125 = arith.andi %scan3A_79, %and3A_124 : i32
        %mul3A_126 = arith.constant 16 : i32
        %mul3A_127 = arith.muli %and3A_125, %mul3A_126 : i32
        %get3A = arith.index_cast %shift_right_arithmetic3A_123 : i32 to index
        %get3A_128 = arith.index_cast %mul3A_127 : i32 to index
        %get3A_129 = tpu.vector_load %arg10[%get3A, %get3A_128] {strides = array<i32>} : memref<25x128xf32, #tpu.memory_space<vmem>>, vector<16xf32>,
        %mul3A_130 = arith.mulf %mul3A_121, %get3A_129 : vector<16xf32>
        tpu.vector_store_idx %arg14[%add3A_83, %and3A_8], %mul3A_130 : memref<800x4xf32, #tpu.memory_space<vmem>>[vector<16xi32>, vector<16xi32>], vector<16xf32>,
        %mul3A_131 = arith.constant 800 : i32
        %mul3A_132 = arith.muli %scan3A_59, %mul3A_131 : i32
        %mul3A_133 = arith.constant 4 : i32
        %mul3A_134 = arith.muli %scan3A_79, %mul3A_133 : i32
        %add3A_135 = arith.addi %mul3A_132, %mul3A_134 : i32
        %add3A_136 = vector.broadcast %add3A_135 : i32 to vector<16xi32>
        %add3A_137 = arith.addi %add3A_136, %shift_right_arithmetic3A_6 : vector<16xi32>
        %shift_right_arithmetic3A_138 = arith.constant 7 : i32
        %shift_right_arithmetic3A_139 = vector.broadcast %shift_right_arithmetic3A_138 : i32 to vector<16xi32>
        %shift_right_arithmetic3A_140 = arith.shrsi %add3A_137, %shift_right_arithmetic3A_139 : vector<16xi32>
        %and3A_141 = arith.constant 127 : i32
        %and3A_142 = vector.broadcast %and3A_141 : i32 to vector<16xi32>
        %and3A_143 = arith.andi %add3A_137, %and3A_142 : vector<16xi32>
        %eq3A = arith.constant 0 : i32
        %eq3A_144 = vector.broadcast %eq3A : i32 to vector<16xi32>
        %eq3A_145 = arith.cmpi eq, %and3A_8, %eq3A_144 : vector<16xi32>
        tpu.vector_store_idx %arg15[%shift_right_arithmetic3A_140, %and3A_143], %mul3A_121 masked %eq3A_145 : memref<50x128xf32, #tpu.memory_space<vmem>>[vector<16xi32>, vector<16xi32>], vector<16xf32>, vector<16xi1>
      }
      %scan3A_75 = arith.constant 200 : i32
      %mul3A_76 = arith.constant 800 : i32
      %mul3A_77 = arith.muli %scan3A_59, %mul3A_76 : i32
      %add3A_78 = arith.addi %mul3A_2, %mul3A_77 : i32
      "tpu.region"() ({
        %run_scoped3A_79 = tpu.sem_alloc : memref<!tpu.dma_semaphore, #tpu.memory_space<semaphore_mem>>
        %dma_start3A = arith.constant 0 : i32
        %dma_start3A_80 = tpu.memref_slice %arg16[%add3A_78, %dma_start3A] : memref<102400x4xf32, #tpu.memory_space<vmem_shared>> -> memref<800x4xf32, #tpu.memory_space<vmem_shared>>
        %dma_start3A_81 = arith.constant 0 : i32
        %dma_start3A_82 = tpu.memref_slice %arg16[%add3A_78, %dma_start3A_81] : memref<102400x4xf32, #tpu.memory_space<vmem_shared>> -> memref<800x4xf32, #tpu.memory_space<vmem_shared>>
        tpu.enqueue_dma source(%arg14 : memref<800x4xf32, #tpu.memory_space<vmem>>) target(%dma_start3A_82 : memref<800x4xf32, #tpu.memory_space<vmem_shared>>) target_semaphore(%run_scoped3A_79 : memref<!tpu.dma_semaphore, #tpu.memory_space<semaphore_mem>>)
        %dma_wait3A = arith.constant 0 : i32
        %dma_wait3A_83 = tpu.memref_slice %arg16[%add3A_78, %dma_wait3A] : memref<102400x4xf32, #tpu.memory_space<vmem_shared>> -> memref<800x4xf32, #tpu.memory_space<vmem_shared>>
        %dma_wait3A_84 = arith.constant 0 : i32
        %dma_wait3A_85 = tpu.memref_slice %arg16[%add3A_78, %dma_wait3A_84] : memref<102400x4xf32, #tpu.memory_space<vmem_shared>> -> memref<800x4xf32, #tpu.memory_space<vmem_shared>>
        tpu.wait_dma2 semaphore(%run_scoped3A_79 : memref<!tpu.dma_semaphore, #tpu.memory_space<semaphore_mem>>) src(%arg14 : memref<800x4xf32, #tpu.memory_space<vmem>>) dst(%dma_wait3A_85 : memref<800x4xf32, #tpu.memory_space<vmem_shared>>)
        tpu.yield
      }) : () -> ()
    }
    %scan3A_43 = arith.constant 8 : i32
    %barrier3A = arith.constant 0 : index
    tpu.barrier barrier_id(%barrier3A)
    %mul3A_44 = arith.constant 100000 : i32
    %mul3A_45 = arith.muli %add3A, %mul3A_44 : i32
    %scan3A_46 = arith.constant 0 : i32
    %scan3A_47 = arith.constant 0 : i32
    %scan3A_48 = arith.constant 50 : i32
    %scan3A_49 = arith.addi %scan3A_47, %scan3A_48 : i32
    %scan3A_50 = arith.constant 1 : i32
    scf.for %scan3A_59 = %scan3A_47 to %scan3A_49 step %scan3A_50  : i32 {
      %mul3A_60 = arith.constant 2000 : i32
      %mul3A_61 = arith.muli %scan3A_59, %mul3A_60 : i32
      %add3A_62 = arith.addi %mul3A_45, %mul3A_61 : i32
      "tpu.region"() ({
        %run_scoped3A = tpu.sem_alloc : memref<!tpu.dma_semaphore, #tpu.memory_space<semaphore_mem>>
        %dma_start3A_70 = tpu.memref_slice %arg2[%add3A_62] : memref<3200000xi32, #tpu.memory_space<hbm>> -> memref<2000xi32, #tpu.memory_space<hbm>>
        %dma_start3A_71 = tpu.memref_slice %arg2[%add3A_62] : memref<3200000xi32, #tpu.memory_space<hbm>> -> memref<2000xi32, #tpu.memory_space<hbm>>
        tpu.enqueue_dma source(%dma_start3A_71 : memref<2000xi32, #tpu.memory_space<hbm>>) target(%arg7 : memref<2000xi32, #tpu.memory_space<vmem>>) target_semaphore(%run_scoped3A : memref<!tpu.dma_semaphore, #tpu.memory_space<semaphore_mem>>)
        %dma_wait3A_72 = tpu.memref_slice %arg2[%add3A_62] : memref<3200000xi32, #tpu.memory_space<hbm>> -> memref<2000xi32, #tpu.memory_space<hbm>>
        %dma_wait3A_73 = tpu.memref_slice %arg2[%add3A_62] : memref<3200000xi32, #tpu.memory_space<hbm>> -> memref<2000xi32, #tpu.memory_space<hbm>>
        tpu.wait_dma2 semaphore(%run_scoped3A : memref<!tpu.dma_semaphore, #tpu.memory_space<semaphore_mem>>) src(%dma_wait3A_73 : memref<2000xi32, #tpu.memory_space<hbm>>) dst(%arg7 : memref<2000xi32, #tpu.memory_space<vmem>>)
        tpu.yield
      }) : () -> ()
      %mul3A_63 = arith.constant 2000 : i32
      %mul3A_64 = arith.muli %scan3A_59, %mul3A_63 : i32
      %add3A_65 = arith.addi %mul3A_45, %mul3A_64 : i32
      "tpu.region"() ({
        %run_scoped3A = tpu.sem_alloc : memref<!tpu.dma_semaphore, #tpu.memory_space<semaphore_mem>>
        %dma_start3A_70 = tpu.memref_slice %arg3[%add3A_65] : memref<3200000xi32, #tpu.memory_space<hbm>> -> memref<2000xi32, #tpu.memory_space<hbm>>
        %dma_start3A_71 = tpu.memref_slice %arg3[%add3A_65] : memref<3200000xi32, #tpu.memory_space<hbm>> -> memref<2000xi32, #tpu.memory_space<hbm>>
        tpu.enqueue_dma source(%dma_start3A_71 : memref<2000xi32, #tpu.memory_space<hbm>>) target(%arg8 : memref<2000xi32, #tpu.memory_space<vmem>>) target_semaphore(%run_scoped3A : memref<!tpu.dma_semaphore, #tpu.memory_space<semaphore_mem>>)
        %dma_wait3A_72 = tpu.memref_slice %arg3[%add3A_65] : memref<3200000xi32, #tpu.memory_space<hbm>> -> memref<2000xi32, #tpu.memory_space<hbm>>
        %dma_wait3A_73 = tpu.memref_slice %arg3[%add3A_65] : memref<3200000xi32, #tpu.memory_space<hbm>> -> memref<2000xi32, #tpu.memory_space<hbm>>
        tpu.wait_dma2 semaphore(%run_scoped3A : memref<!tpu.dma_semaphore, #tpu.memory_space<semaphore_mem>>) src(%dma_wait3A_73 : memref<2000xi32, #tpu.memory_space<hbm>>) dst(%arg8 : memref<2000xi32, #tpu.memory_space<vmem>>)
        tpu.yield
      }) : () -> ()
      %dma_start3A = arith.constant 0 : i32
      %dma_start3A_66 = arith.constant 0 : i32
      %dma_start3A_67 = tpu.memref_slice %arg16[%dma_start3A, %dma_start3A_66] : memref<102400x4xf32, #tpu.memory_space<vmem_shared>> -> memref<102400x4xf32, #tpu.memory_space<vmem_shared>>
      tpu.enqueue_indirect_dma source(%dma_start3A_67 : memref<102400x4xf32, #tpu.memory_space<vmem_shared>>) target(%arg9 : memref<2000x4xf32, #tpu.memory_space<vmem>>) offsets(%arg7 : memref<2000xi32, #tpu.memory_space<vmem>>) semaphore(%arg18 : memref<!tpu.dma_semaphore, #tpu.memory_space<semaphore_mem>>)
      %dma_wait3A = arith.constant 0 : i32
      %dma_wait3A_68 = arith.constant 0 : i32
      %dma_wait3A_69 = tpu.memref_slice %arg16[%dma_wait3A, %dma_wait3A_68] : memref<102400x4xf32, #tpu.memory_space<vmem_shared>> -> memref<102400x4xf32, #tpu.memory_space<vmem_shared>>
      tpu.wait_indirect_dma semaphore(%arg18 : memref<!tpu.dma_semaphore, #tpu.memory_space<semaphore_mem>>) src(%dma_wait3A_69 : memref<102400x4xf32, #tpu.memory_space<vmem_shared>>) dst(%arg9 : memref<2000x4xf32, #tpu.memory_space<vmem>>)
      "tpu.region"() ({
        %run_scoped3A = tpu.sem_alloc : memref<!tpu.dma_semaphore, #tpu.memory_space<semaphore_mem>>
        %dma_start3A_70 = arith.constant 0 : i32
        %dma_start3A_71 = arith.constant 0 : i32
        %dma_start3A_72 = tpu.memref_slice %arg17[%dma_start3A_70, %dma_start3A_71] : memref<102400x4xf32, #tpu.memory_space<vmem_shared>> -> memref<102400x4xf32, #tpu.memory_space<vmem_shared>>
        tpu.enqueue_indirect_dma source(%arg9 : memref<2000x4xf32, #tpu.memory_space<vmem>>) target(%dma_start3A_72 : memref<102400x4xf32, #tpu.memory_space<vmem_shared>>) offsets(%arg8 : memref<2000xi32, #tpu.memory_space<vmem>>) semaphore(%run_scoped3A : memref<!tpu.dma_semaphore, #tpu.memory_space<semaphore_mem>>) {add = true}
        %dma_wait3A_73 = arith.constant 0 : i32
        %dma_wait3A_74 = arith.constant 0 : i32
        %dma_wait3A_75 = tpu.memref_slice %arg17[%dma_wait3A_73, %dma_wait3A_74] : memref<102400x4xf32, #tpu.memory_space<vmem_shared>> -> memref<102400x4xf32, #tpu.memory_space<vmem_shared>>
        tpu.wait_indirect_dma semaphore(%run_scoped3A : memref<!tpu.dma_semaphore, #tpu.memory_space<semaphore_mem>>) src(%arg9 : memref<2000x4xf32, #tpu.memory_space<vmem>>) dst(%dma_wait3A_75 : memref<102400x4xf32, #tpu.memory_space<vmem_shared>>)
        tpu.yield
      }) : () -> ()
    }
    %scan3A_51 = arith.constant 50 : i32
    %barrier3A_52 = arith.constant 0 : index
    tpu.barrier barrier_id(%barrier3A_52)
    %scan3A_53 = arith.constant 0 : i32
    %scan3A_54 = arith.constant 0 : i32
    %scan3A_55 = arith.constant 8 : i32
    %scan3A_56 = arith.addi %scan3A_54, %scan3A_55 : i32
    %scan3A_57 = arith.constant 1 : i32
    scf.for %scan3A_59 = %scan3A_54 to %scan3A_56 step %scan3A_57  : i32 {
      %mul3A_60 = arith.constant 800 : i32
      %mul3A_61 = arith.muli %scan3A_59, %mul3A_60 : i32
      %add3A_62 = arith.addi %mul3A_2, %mul3A_61 : i32
      "tpu.region"() ({
        %run_scoped3A = tpu.sem_alloc : memref<!tpu.dma_semaphore, #tpu.memory_space<semaphore_mem>>
        %dma_start3A = arith.constant 0 : i32
        %dma_start3A_75 = tpu.memref_slice %arg17[%add3A_62, %dma_start3A] : memref<102400x4xf32, #tpu.memory_space<vmem_shared>> -> memref<800x4xf32, #tpu.memory_space<vmem_shared>>
        %dma_start3A_76 = arith.constant 0 : i32
        %dma_start3A_77 = tpu.memref_slice %arg17[%add3A_62, %dma_start3A_76] : memref<102400x4xf32, #tpu.memory_space<vmem_shared>> -> memref<800x4xf32, #tpu.memory_space<vmem_shared>>
        tpu.enqueue_dma source(%dma_start3A_77 : memref<800x4xf32, #tpu.memory_space<vmem_shared>>) target(%arg12 : memref<800x4xf32, #tpu.memory_space<vmem>>) target_semaphore(%run_scoped3A : memref<!tpu.dma_semaphore, #tpu.memory_space<semaphore_mem>>)
        %dma_wait3A = arith.constant 0 : i32
        %dma_wait3A_78 = tpu.memref_slice %arg17[%add3A_62, %dma_wait3A] : memref<102400x4xf32, #tpu.memory_space<vmem_shared>> -> memref<800x4xf32, #tpu.memory_space<vmem_shared>>
        %dma_wait3A_79 = arith.constant 0 : i32
        %dma_wait3A_80 = tpu.memref_slice %arg17[%add3A_62, %dma_wait3A_79] : memref<102400x4xf32, #tpu.memory_space<vmem_shared>> -> memref<800x4xf32, #tpu.memory_space<vmem_shared>>
        tpu.wait_dma2 semaphore(%run_scoped3A : memref<!tpu.dma_semaphore, #tpu.memory_space<semaphore_mem>>) src(%dma_wait3A_80 : memref<800x4xf32, #tpu.memory_space<vmem_shared>>) dst(%arg12 : memref<800x4xf32, #tpu.memory_space<vmem>>)
        tpu.yield
      }) : () -> ()
      %mul3A_63 = arith.constant 25 : i32
      %mul3A_64 = arith.muli %scan3A_59, %mul3A_63 : i32
      %add3A_65 = arith.addi %mul3A_4, %mul3A_64 : i32
      "tpu.region"() ({
        %run_scoped3A = tpu.sem_alloc : memref<!tpu.dma_semaphore, #tpu.memory_space<semaphore_mem>>
        %dma_start3A = arith.constant 0 : i32
        %dma_start3A_75 = tpu.memref_slice %arg5[%add3A_65, %dma_start3A] : memref<3200x128xf32, #tpu.memory_space<hbm>> -> memref<25x128xf32, #tpu.memory_space<hbm>>
        %dma_start3A_76 = arith.constant 0 : i32
        %dma_start3A_77 = tpu.memref_slice %arg5[%add3A_65, %dma_start3A_76] : memref<3200x128xf32, #tpu.memory_space<hbm>> -> memref<25x128xf32, #tpu.memory_space<hbm>>
        tpu.enqueue_dma source(%dma_start3A_77 : memref<25x128xf32, #tpu.memory_space<hbm>>) target(%arg10 : memref<25x128xf32, #tpu.memory_space<vmem>>) target_semaphore(%run_scoped3A : memref<!tpu.dma_semaphore, #tpu.memory_space<semaphore_mem>>)
        %dma_wait3A = arith.constant 0 : i32
        %dma_wait3A_78 = tpu.memref_slice %arg5[%add3A_65, %dma_wait3A] : memref<3200x128xf32, #tpu.memory_space<hbm>> -> memref<25x128xf32, #tpu.memory_space<hbm>>
        %dma_wait3A_79 = arith.constant 0 : i32
        %dma_wait3A_80 = tpu.memref_slice %arg5[%add3A_65, %dma_wait3A_79] : memref<3200x128xf32, #tpu.memory_space<hbm>> -> memref<25x128xf32, #tpu.memory_space<hbm>>
        tpu.wait_dma2 semaphore(%run_scoped3A : memref<!tpu.dma_semaphore, #tpu.memory_space<semaphore_mem>>) src(%dma_wait3A_80 : memref<25x128xf32, #tpu.memory_space<hbm>>) dst(%arg10 : memref<25x128xf32, #tpu.memory_space<vmem>>)
        tpu.yield
      }) : () -> ()
      %scan3A_66 = arith.constant 0 : i32
      %scan3A_67 = arith.constant 0 : i32
      %scan3A_68 = arith.constant 200 : i32
      %scan3A_69 = arith.addi %scan3A_67, %scan3A_68 : i32
      %scan3A_70 = arith.constant 1 : i32
      scf.for %scan3A_75 = %scan3A_67 to %scan3A_69 step %scan3A_70  : i32 {
        %mul3A_76 = arith.constant 4 : i32
        %mul3A_77 = arith.muli %scan3A_75, %mul3A_76 : i32
        %add3A_78 = vector.broadcast %mul3A_77 : i32 to vector<16xi32>
        %add3A_79 = arith.addi %shift_right_arithmetic3A_6, %add3A_78 : vector<16xi32>
        %gather3A = tpu.vector_load_idx %arg12[%add3A_79, %and3A_8] : memref<800x4xf32, #tpu.memory_space<vmem>>[vector<16xi32>, vector<16xi32>], vector<16xf32>,
        %mul3A_80 = arith.constant 800 : i32
        %mul3A_81 = arith.muli %scan3A_59, %mul3A_80 : i32
        %mul3A_82 = arith.constant 4 : i32
        %mul3A_83 = arith.muli %scan3A_75, %mul3A_82 : i32
        %add3A_84 = arith.addi %mul3A_81, %mul3A_83 : i32
        %add3A_85 = vector.broadcast %add3A_84 : i32 to vector<16xi32>
        %add3A_86 = arith.addi %add3A_85, %shift_right_arithmetic3A_6 : vector<16xi32>
        %shift_right_arithmetic3A_87 = arith.constant 7 : i32
        %shift_right_arithmetic3A_88 = vector.broadcast %shift_right_arithmetic3A_87 : i32 to vector<16xi32>
        %shift_right_arithmetic3A_89 = arith.shrsi %add3A_86, %shift_right_arithmetic3A_88 : vector<16xi32>
        %and3A_90 = arith.constant 127 : i32
        %and3A_91 = vector.broadcast %and3A_90 : i32 to vector<16xi32>
        %and3A_92 = arith.andi %add3A_86, %and3A_91 : vector<16xi32>
        %gather3A_93 = tpu.vector_load_idx %arg15[%shift_right_arithmetic3A_89, %and3A_92] : memref<50x128xf32, #tpu.memory_space<vmem>>[vector<16xi32>, vector<16xi32>], vector<16xf32>,
        %shift_right_arithmetic3A_94 = arith.constant 3 : i32
        %shift_right_arithmetic3A_95 = arith.shrsi %scan3A_75, %shift_right_arithmetic3A_94 : i32
        %and3A_96 = arith.constant 7 : i32
        %and3A_97 = arith.andi %scan3A_75, %and3A_96 : i32
        %mul3A_98 = arith.constant 16 : i32
        %mul3A_99 = arith.muli %and3A_97, %mul3A_98 : i32
        %get3A = arith.index_cast %shift_right_arithmetic3A_95 : i32 to index
        %get3A_100 = arith.index_cast %mul3A_99 : i32 to index
        %get3A_101 = tpu.vector_load %arg10[%get3A, %get3A_100] {strides = array<i32>} : memref<25x128xf32, #tpu.memory_space<vmem>>, vector<16xf32>,
        %mul3A_102 = arith.mulf %gather3A_93, %gather3A : vector<16xf32>
        %mul3A_103 = arith.constant 5.000000e-01 : f32
        %mul3A_104 = vector.broadcast %mul3A_103 : f32 to vector<16xf32>
        %mul3A_105 = arith.mulf %mul3A_104, %gather3A_93 : vector<16xf32>
        %mul3A_106 = arith.mulf %mul3A_105, %gather3A_93 : vector<16xf32>
        %mul3A_107 = arith.mulf %mul3A_106, %get3A_101 : vector<16xf32>
        %add3A_108 = arith.addf %mul3A_102, %mul3A_107 : vector<16xf32>
        %shift_right_arithmetic3A_109 = arith.constant 3 : i32
        %shift_right_arithmetic3A_110 = arith.shrsi %scan3A_75, %shift_right_arithmetic3A_109 : i32
        %and3A_111 = arith.constant 7 : i32
        %and3A_112 = arith.andi %scan3A_75, %and3A_111 : i32
        %mul3A_113 = arith.constant 16 : i32
        %mul3A_114 = arith.muli %and3A_112, %mul3A_113 : i32
        %swap3A = arith.index_cast %shift_right_arithmetic3A_110 : i32 to index
        %swap3A_115 = arith.index_cast %mul3A_114 : i32 to index
        %swap3A_116 = tpu.vector_load %arg11[%swap3A, %swap3A_115] {strides = array<i32>} : memref<25x128xf32, #tpu.memory_space<vmem>>, vector<16xf32>,
        tpu.vector_store %arg11[%swap3A, %swap3A_115], %add3A_108 {strides = array<i32>} : memref<25x128xf32, #tpu.memory_space<vmem>>, vector<16xf32>,
      }
      %scan3A_71 = arith.constant 200 : i32
      %mul3A_72 = arith.constant 25 : i32
      %mul3A_73 = arith.muli %scan3A_59, %mul3A_72 : i32
      %add3A_74 = arith.addi %mul3A_4, %mul3A_73 : i32
      "tpu.region"() ({
        %run_scoped3A = tpu.sem_alloc : memref<!tpu.dma_semaphore, #tpu.memory_space<semaphore_mem>>
        %dma_start3A = arith.constant 0 : i32
        %dma_start3A_75 = tpu.memref_slice %arg6[%arg0, %add3A_74, %dma_start3A] : memref<2x3200x128xf32, #tpu.memory_space<hbm>> -> memref<1x25x128xf32, #tpu.memory_space<hbm>>
        %dma_start3A_76 = tpu.memref_squeeze %dma_start3A_75 : memref<1x25x128xf32, #tpu.memory_space<hbm>> -> memref<25x128xf32, #tpu.memory_space<hbm>>
        %dma_start3A_77 = arith.constant 0 : i32
        %dma_start3A_78 = tpu.memref_slice %arg6[%arg0, %add3A_74, %dma_start3A_77] : memref<2x3200x128xf32, #tpu.memory_space<hbm>> -> memref<1x25x128xf32, #tpu.memory_space<hbm>>
        %dma_start3A_79 = tpu.memref_squeeze %dma_start3A_78 : memref<1x25x128xf32, #tpu.memory_space<hbm>> -> memref<25x128xf32, #tpu.memory_space<hbm>>
        tpu.enqueue_dma source(%arg11 : memref<25x128xf32, #tpu.memory_space<vmem>>) target(%dma_start3A_79 : memref<25x128xf32, #tpu.memory_space<hbm>>) target_semaphore(%run_scoped3A : memref<!tpu.dma_semaphore, #tpu.memory_space<semaphore_mem>>)
        %dma_wait3A = arith.constant 0 : i32
        %dma_wait3A_80 = tpu.memref_slice %arg6[%arg0, %add3A_74, %dma_wait3A] : memref<2x3200x128xf32, #tpu.memory_space<hbm>> -> memref<1x25x128xf32, #tpu.memory_space<hbm>>
        %dma_wait3A_81 = tpu.memref_squeeze %dma_wait3A_80 : memref<1x25x128xf32, #tpu.memory_space<hbm>> -> memref<25x128xf32, #tpu.memory_space<hbm>>
        %dma_wait3A_82 = arith.constant 0 : i32
        %dma_wait3A_83 = tpu.memref_slice %arg6[%arg0, %add3A_74, %dma_wait3A_82] : memref<2x3200x128xf32, #tpu.memory_space<hbm>> -> memref<1x25x128xf32, #tpu.memory_space<hbm>>
        %dma_wait3A_84 = tpu.memref_squeeze %dma_wait3A_83 : memref<1x25x128xf32, #tpu.memory_space<hbm>> -> memref<25x128xf32, #tpu.memory_space<hbm>>
        tpu.wait_dma2 semaphore(%run_scoped3A : memref<!tpu.dma_semaphore, #tpu.memory_space<semaphore_mem>>) src(%arg11 : memref<25x128xf32, #tpu.memory_space<vmem>>) dst(%dma_wait3A_84 : memref<25x128xf32, #tpu.memory_space<hbm>>)
        tpu.yield
      }) : () -> ()
    }
    %scan3A_58 = arith.constant 8 : i32
    return
  }
}

#map = affine_map<(d0, d1) -> (0)>
#map1 = affine_map<(d0, d1) -> (0, 0, 0)>
module attributes {stable_mosaic.version = 14 : i64} {
  func.func @_sc_hist_body(%arg0: i32, %arg1: i32, %arg2: memref<3200000xi32, #tpu.memory_space<hbm>>, %arg3: memref<2x102400x4xf32, #tpu.memory_space<hbm>>, %arg4: memref<2000xi32, #tpu.memory_space<vmem>>, %arg5: memref<2000xi32, #tpu.memory_space<vmem>>, %arg6: memref<2000x4xf32, #tpu.memory_space<vmem>>, %arg7: memref<800x4xf32, #tpu.memory_space<vmem>>, %arg8: memref<102400x4xf32, #tpu.memory_space<vmem_shared>>, %arg9: memref<!tpu.dma_semaphore, #tpu.memory_space<semaphore_mem>>) attributes {dimension_semantics = [#tpu.dimension_semantics<core_parallel>, #tpu.dimension_semantics<subcore_parallel>], iteration_bounds = array<i64: 2, 16>, scalar_prefetch = 0 : i64, scratch_operands = 6 : i64, tpu.core_type = #tpu.core_type<sc_vector_subcore>, window_params = [{transform_indices = #map}, {transform_indices = #map1}]} {
    %mul3A = arith.constant 16 : i32
    %mul3A_0 = arith.muli %arg0, %mul3A : i32
    %add3A = arith.addi %mul3A_0, %arg1 : i32
    %iota3A = tpu.iota {dimensions = array<i32: 0>} : vector<16xi32>
    %shift_right_arithmetic3A = arith.constant 2 : i32
    %shift_right_arithmetic3A_1 = vector.broadcast %shift_right_arithmetic3A : i32 to vector<16xi32>
    %shift_right_arithmetic3A_2 = arith.shrsi %iota3A, %shift_right_arithmetic3A_1 : vector<16xi32>
    %and3A = arith.constant 3 : i32
    %and3A_3 = vector.broadcast %and3A : i32 to vector<16xi32>
    %and3A_4 = arith.andi %iota3A, %and3A_3 : vector<16xi32>
    %broadcast_in_dim3A = arith.constant 1.000000e+00 : f32
    %broadcast_in_dim3A_5 = vector.broadcast %broadcast_in_dim3A : f32 to vector<16xf32>
    %scan3A = arith.constant 0 : i32
    %scan3A_6 = arith.constant 0 : i32
    %scan3A_7 = arith.constant 500 : i32
    %scan3A_8 = arith.addi %scan3A_6, %scan3A_7 : i32
    %scan3A_9 = arith.constant 1 : i32
    scf.for %scan3A_71 = %scan3A_6 to %scan3A_8 step %scan3A_9  : i32 {
      %mul3A_72 = arith.constant 4 : i32
      %mul3A_73 = arith.muli %scan3A_71, %mul3A_72 : i32
      %add3A_74 = vector.broadcast %mul3A_73 : i32 to vector<16xi32>
      %add3A_75 = arith.addi %shift_right_arithmetic3A_2, %add3A_74 : vector<16xi32>
      tpu.vector_store_idx %arg6[%add3A_75, %and3A_4], %broadcast_in_dim3A_5 : memref<2000x4xf32, #tpu.memory_space<vmem>>[vector<16xi32>, vector<16xi32>], vector<16xf32>,
    }
    %scan3A_10 = arith.constant 500 : i32
    %iota3A_11 = tpu.iota {dimensions = array<i32: 0>} : vector<16xi32>
    %shift_right_arithmetic3A_12 = arith.constant 2 : i32
    %shift_right_arithmetic3A_13 = vector.broadcast %shift_right_arithmetic3A_12 : i32 to vector<16xi32>
    %shift_right_arithmetic3A_14 = arith.shrsi %iota3A_11, %shift_right_arithmetic3A_13 : vector<16xi32>
    %and3A_15 = arith.constant 3 : i32
    %and3A_16 = vector.broadcast %and3A_15 : i32 to vector<16xi32>
    %and3A_17 = arith.andi %iota3A_11, %and3A_16 : vector<16xi32>
    %broadcast_in_dim3A_18 = arith.constant 0.000000e+00 : f32
    %broadcast_in_dim3A_19 = vector.broadcast %broadcast_in_dim3A_18 : f32 to vector<16xf32>
    %scan3A_20 = arith.constant 0 : i32
    %scan3A_21 = arith.constant 0 : i32
    %scan3A_22 = arith.constant 200 : i32
    %scan3A_23 = arith.addi %scan3A_21, %scan3A_22 : i32
    %scan3A_24 = arith.constant 1 : i32
    scf.for %scan3A_71 = %scan3A_21 to %scan3A_23 step %scan3A_24  : i32 {
      %mul3A_72 = arith.constant 4 : i32
      %mul3A_73 = arith.muli %scan3A_71, %mul3A_72 : i32
      %add3A_74 = vector.broadcast %mul3A_73 : i32 to vector<16xi32>
      %add3A_75 = arith.addi %shift_right_arithmetic3A_14, %add3A_74 : vector<16xi32>
      tpu.vector_store_idx %arg7[%add3A_75, %and3A_17], %broadcast_in_dim3A_19 : memref<800x4xf32, #tpu.memory_space<vmem>>[vector<16xi32>, vector<16xi32>], vector<16xf32>,
    }
    %scan3A_25 = arith.constant 200 : i32
    %mul3A_26 = arith.constant 6400 : i32
    %mul3A_27 = arith.muli %arg1, %mul3A_26 : i32
    %add3A_28 = arith.constant 0 : i32
    %add3A_29 = arith.addi %mul3A_27, %add3A_28 : i32
    "tpu.region"() ({
      %run_scoped3A = tpu.sem_alloc : memref<!tpu.dma_semaphore, #tpu.memory_space<semaphore_mem>>
      %dma_start3A = arith.constant 0 : i32
      %dma_start3A_71 = tpu.memref_slice %arg8[%add3A_29, %dma_start3A] : memref<102400x4xf32, #tpu.memory_space<vmem_shared>> -> memref<800x4xf32, #tpu.memory_space<vmem_shared>>
      %dma_start3A_72 = arith.constant 0 : i32
      %dma_start3A_73 = tpu.memref_slice %arg8[%add3A_29, %dma_start3A_72] : memref<102400x4xf32, #tpu.memory_space<vmem_shared>> -> memref<800x4xf32, #tpu.memory_space<vmem_shared>>
      tpu.enqueue_dma source(%arg7 : memref<800x4xf32, #tpu.memory_space<vmem>>) target(%dma_start3A_73 : memref<800x4xf32, #tpu.memory_space<vmem_shared>>) target_semaphore(%run_scoped3A : memref<!tpu.dma_semaphore, #tpu.memory_space<semaphore_mem>>)
      %dma_wait3A = arith.constant 0 : i32
      %dma_wait3A_74 = tpu.memref_slice %arg8[%add3A_29, %dma_wait3A] : memref<102400x4xf32, #tpu.memory_space<vmem_shared>> -> memref<800x4xf32, #tpu.memory_space<vmem_shared>>
      %dma_wait3A_75 = arith.constant 0 : i32
      %dma_wait3A_76 = tpu.memref_slice %arg8[%add3A_29, %dma_wait3A_75] : memref<102400x4xf32, #tpu.memory_space<vmem_shared>> -> memref<800x4xf32, #tpu.memory_space<vmem_shared>>
      tpu.wait_dma2 semaphore(%run_scoped3A : memref<!tpu.dma_semaphore, #tpu.memory_space<semaphore_mem>>) src(%arg7 : memref<800x4xf32, #tpu.memory_space<vmem>>) dst(%dma_wait3A_76 : memref<800x4xf32, #tpu.memory_space<vmem_shared>>)
      tpu.yield
    }) : () -> ()
    %mul3A_30 = arith.constant 6400 : i32
    %mul3A_31 = arith.muli %arg1, %mul3A_30 : i32
    %add3A_32 = arith.constant 800 : i32
    %add3A_33 = arith.addi %mul3A_31, %add3A_32 : i32
    "tpu.region"() ({
      %run_scoped3A = tpu.sem_alloc : memref<!tpu.dma_semaphore, #tpu.memory_space<semaphore_mem>>
      %dma_start3A = arith.constant 0 : i32
      %dma_start3A_71 = tpu.memref_slice %arg8[%add3A_33, %dma_start3A] : memref<102400x4xf32, #tpu.memory_space<vmem_shared>> -> memref<800x4xf32, #tpu.memory_space<vmem_shared>>
      %dma_start3A_72 = arith.constant 0 : i32
      %dma_start3A_73 = tpu.memref_slice %arg8[%add3A_33, %dma_start3A_72] : memref<102400x4xf32, #tpu.memory_space<vmem_shared>> -> memref<800x4xf32, #tpu.memory_space<vmem_shared>>
      tpu.enqueue_dma source(%arg7 : memref<800x4xf32, #tpu.memory_space<vmem>>) target(%dma_start3A_73 : memref<800x4xf32, #tpu.memory_space<vmem_shared>>) target_semaphore(%run_scoped3A : memref<!tpu.dma_semaphore, #tpu.memory_space<semaphore_mem>>)
      %dma_wait3A = arith.constant 0 : i32
      %dma_wait3A_74 = tpu.memref_slice %arg8[%add3A_33, %dma_wait3A] : memref<102400x4xf32, #tpu.memory_space<vmem_shared>> -> memref<800x4xf32, #tpu.memory_space<vmem_shared>>
      %dma_wait3A_75 = arith.constant 0 : i32
      %dma_wait3A_76 = tpu.memref_slice %arg8[%add3A_33, %dma_wait3A_75] : memref<102400x4xf32, #tpu.memory_space<vmem_shared>> -> memref<800x4xf32, #tpu.memory_space<vmem_shared>>
      tpu.wait_dma2 semaphore(%run_scoped3A : memref<!tpu.dma_semaphore, #tpu.memory_space<semaphore_mem>>) src(%arg7 : memref<800x4xf32, #tpu.memory_space<vmem>>) dst(%dma_wait3A_76 : memref<800x4xf32, #tpu.memory_space<vmem_shared>>)
      tpu.yield
    }) : () -> ()
    %mul3A_34 = arith.constant 6400 : i32
    %mul3A_35 = arith.muli %arg1, %mul3A_34 : i32
    %add3A_36 = arith.constant 1600 : i32
    %add3A_37 = arith.addi %mul3A_35, %add3A_36 : i32
    "tpu.region"() ({
      %run_scoped3A = tpu.sem_alloc : memref<!tpu.dma_semaphore, #tpu.memory_space<semaphore_mem>>
      %dma_start3A = arith.constant 0 : i32
      %dma_start3A_71 = tpu.memref_slice %arg8[%add3A_37, %dma_start3A] : memref<102400x4xf32, #tpu.memory_space<vmem_shared>> -> memref<800x4xf32, #tpu.memory_space<vmem_shared>>
      %dma_start3A_72 = arith.constant 0 : i32
      %dma_start3A_73 = tpu.memref_slice %arg8[%add3A_37, %dma_start3A_72] : memref<102400x4xf32, #tpu.memory_space<vmem_shared>> -> memref<800x4xf32, #tpu.memory_space<vmem_shared>>
      tpu.enqueue_dma source(%arg7 : memref<800x4xf32, #tpu.memory_space<vmem>>) target(%dma_start3A_73 : memref<800x4xf32, #tpu.memory_space<vmem_shared>>) target_semaphore(%run_scoped3A : memref<!tpu.dma_semaphore, #tpu.memory_space<semaphore_mem>>)
      %dma_wait3A = arith.constant 0 : i32
      %dma_wait3A_74 = tpu.memref_slice %arg8[%add3A_37, %dma_wait3A] : memref<102400x4xf32, #tpu.memory_space<vmem_shared>> -> memref<800x4xf32, #tpu.memory_space<vmem_shared>>
      %dma_wait3A_75 = arith.constant 0 : i32
      %dma_wait3A_76 = tpu.memref_slice %arg8[%add3A_37, %dma_wait3A_75] : memref<102400x4xf32, #tpu.memory_space<vmem_shared>> -> memref<800x4xf32, #tpu.memory_space<vmem_shared>>
      tpu.wait_dma2 semaphore(%run_scoped3A : memref<!tpu.dma_semaphore, #tpu.memory_space<semaphore_mem>>) src(%arg7 : memref<800x4xf32, #tpu.memory_space<vmem>>) dst(%dma_wait3A_76 : memref<800x4xf32, #tpu.memory_space<vmem_shared>>)
      tpu.yield
    }) : () -> ()
    %mul3A_38 = arith.constant 6400 : i32
    %mul3A_39 = arith.muli %arg1, %mul3A_38 : i32
    %add3A_40 = arith.constant 2400 : i32
    %add3A_41 = arith.addi %mul3A_39, %add3A_40 : i32
    "tpu.region"() ({
      %run_scoped3A = tpu.sem_alloc : memref<!tpu.dma_semaphore, #tpu.memory_space<semaphore_mem>>
      %dma_start3A = arith.constant 0 : i32
      %dma_start3A_71 = tpu.memref_slice %arg8[%add3A_41, %dma_start3A] : memref<102400x4xf32, #tpu.memory_space<vmem_shared>> -> memref<800x4xf32, #tpu.memory_space<vmem_shared>>
      %dma_start3A_72 = arith.constant 0 : i32
      %dma_start3A_73 = tpu.memref_slice %arg8[%add3A_41, %dma_start3A_72] : memref<102400x4xf32, #tpu.memory_space<vmem_shared>> -> memref<800x4xf32, #tpu.memory_space<vmem_shared>>
      tpu.enqueue_dma source(%arg7 : memref<800x4xf32, #tpu.memory_space<vmem>>) target(%dma_start3A_73 : memref<800x4xf32, #tpu.memory_space<vmem_shared>>) target_semaphore(%run_scoped3A : memref<!tpu.dma_semaphore, #tpu.memory_space<semaphore_mem>>)
      %dma_wait3A = arith.constant 0 : i32
      %dma_wait3A_74 = tpu.memref_slice %arg8[%add3A_41, %dma_wait3A] : memref<102400x4xf32, #tpu.memory_space<vmem_shared>> -> memref<800x4xf32, #tpu.memory_space<vmem_shared>>
      %dma_wait3A_75 = arith.constant 0 : i32
      %dma_wait3A_76 = tpu.memref_slice %arg8[%add3A_41, %dma_wait3A_75] : memref<102400x4xf32, #tpu.memory_space<vmem_shared>> -> memref<800x4xf32, #tpu.memory_space<vmem_shared>>
      tpu.wait_dma2 semaphore(%run_scoped3A : memref<!tpu.dma_semaphore, #tpu.memory_space<semaphore_mem>>) src(%arg7 : memref<800x4xf32, #tpu.memory_space<vmem>>) dst(%dma_wait3A_76 : memref<800x4xf32, #tpu.memory_space<vmem_shared>>)
      tpu.yield
    }) : () -> ()
    %mul3A_42 = arith.constant 6400 : i32
    %mul3A_43 = arith.muli %arg1, %mul3A_42 : i32
    %add3A_44 = arith.constant 3200 : i32
    %add3A_45 = arith.addi %mul3A_43, %add3A_44 : i32
    "tpu.region"() ({
      %run_scoped3A = tpu.sem_alloc : memref<!tpu.dma_semaphore, #tpu.memory_space<semaphore_mem>>
      %dma_start3A = arith.constant 0 : i32
      %dma_start3A_71 = tpu.memref_slice %arg8[%add3A_45, %dma_start3A] : memref<102400x4xf32, #tpu.memory_space<vmem_shared>> -> memref<800x4xf32, #tpu.memory_space<vmem_shared>>
      %dma_start3A_72 = arith.constant 0 : i32
      %dma_start3A_73 = tpu.memref_slice %arg8[%add3A_45, %dma_start3A_72] : memref<102400x4xf32, #tpu.memory_space<vmem_shared>> -> memref<800x4xf32, #tpu.memory_space<vmem_shared>>
      tpu.enqueue_dma source(%arg7 : memref<800x4xf32, #tpu.memory_space<vmem>>) target(%dma_start3A_73 : memref<800x4xf32, #tpu.memory_space<vmem_shared>>) target_semaphore(%run_scoped3A : memref<!tpu.dma_semaphore, #tpu.memory_space<semaphore_mem>>)
      %dma_wait3A = arith.constant 0 : i32
      %dma_wait3A_74 = tpu.memref_slice %arg8[%add3A_45, %dma_wait3A] : memref<102400x4xf32, #tpu.memory_space<vmem_shared>> -> memref<800x4xf32, #tpu.memory_space<vmem_shared>>
      %dma_wait3A_75 = arith.constant 0 : i32
      %dma_wait3A_76 = tpu.memref_slice %arg8[%add3A_45, %dma_wait3A_75] : memref<102400x4xf32, #tpu.memory_space<vmem_shared>> -> memref<800x4xf32, #tpu.memory_space<vmem_shared>>
      tpu.wait_dma2 semaphore(%run_scoped3A : memref<!tpu.dma_semaphore, #tpu.memory_space<semaphore_mem>>) src(%arg7 : memref<800x4xf32, #tpu.memory_space<vmem>>) dst(%dma_wait3A_76 : memref<800x4xf32, #tpu.memory_space<vmem_shared>>)
      tpu.yield
    }) : () -> ()
    %mul3A_46 = arith.constant 6400 : i32
    %mul3A_47 = arith.muli %arg1, %mul3A_46 : i32
    %add3A_48 = arith.constant 4000 : i32
    %add3A_49 = arith.addi %mul3A_47, %add3A_48 : i32
    "tpu.region"() ({
      %run_scoped3A = tpu.sem_alloc : memref<!tpu.dma_semaphore, #tpu.memory_space<semaphore_mem>>
      %dma_start3A = arith.constant 0 : i32
      %dma_start3A_71 = tpu.memref_slice %arg8[%add3A_49, %dma_start3A] : memref<102400x4xf32, #tpu.memory_space<vmem_shared>> -> memref<800x4xf32, #tpu.memory_space<vmem_shared>>
      %dma_start3A_72 = arith.constant 0 : i32
      %dma_start3A_73 = tpu.memref_slice %arg8[%add3A_49, %dma_start3A_72] : memref<102400x4xf32, #tpu.memory_space<vmem_shared>> -> memref<800x4xf32, #tpu.memory_space<vmem_shared>>
      tpu.enqueue_dma source(%arg7 : memref<800x4xf32, #tpu.memory_space<vmem>>) target(%dma_start3A_73 : memref<800x4xf32, #tpu.memory_space<vmem_shared>>) target_semaphore(%run_scoped3A : memref<!tpu.dma_semaphore, #tpu.memory_space<semaphore_mem>>)
      %dma_wait3A = arith.constant 0 : i32
      %dma_wait3A_74 = tpu.memref_slice %arg8[%add3A_49, %dma_wait3A] : memref<102400x4xf32, #tpu.memory_space<vmem_shared>> -> memref<800x4xf32, #tpu.memory_space<vmem_shared>>
      %dma_wait3A_75 = arith.constant 0 : i32
      %dma_wait3A_76 = tpu.memref_slice %arg8[%add3A_49, %dma_wait3A_75] : memref<102400x4xf32, #tpu.memory_space<vmem_shared>> -> memref<800x4xf32, #tpu.memory_space<vmem_shared>>
      tpu.wait_dma2 semaphore(%run_scoped3A : memref<!tpu.dma_semaphore, #tpu.memory_space<semaphore_mem>>) src(%arg7 : memref<800x4xf32, #tpu.memory_space<vmem>>) dst(%dma_wait3A_76 : memref<800x4xf32, #tpu.memory_space<vmem_shared>>)
      tpu.yield
    }) : () -> ()
    %mul3A_50 = arith.constant 6400 : i32
    %mul3A_51 = arith.muli %arg1, %mul3A_50 : i32
    %add3A_52 = arith.constant 4800 : i32
    %add3A_53 = arith.addi %mul3A_51, %add3A_52 : i32
    "tpu.region"() ({
      %run_scoped3A = tpu.sem_alloc : memref<!tpu.dma_semaphore, #tpu.memory_space<semaphore_mem>>
      %dma_start3A = arith.constant 0 : i32
      %dma_start3A_71 = tpu.memref_slice %arg8[%add3A_53, %dma_start3A] : memref<102400x4xf32, #tpu.memory_space<vmem_shared>> -> memref<800x4xf32, #tpu.memory_space<vmem_shared>>
      %dma_start3A_72 = arith.constant 0 : i32
      %dma_start3A_73 = tpu.memref_slice %arg8[%add3A_53, %dma_start3A_72] : memref<102400x4xf32, #tpu.memory_space<vmem_shared>> -> memref<800x4xf32, #tpu.memory_space<vmem_shared>>
      tpu.enqueue_dma source(%arg7 : memref<800x4xf32, #tpu.memory_space<vmem>>) target(%dma_start3A_73 : memref<800x4xf32, #tpu.memory_space<vmem_shared>>) target_semaphore(%run_scoped3A : memref<!tpu.dma_semaphore, #tpu.memory_space<semaphore_mem>>)
      %dma_wait3A = arith.constant 0 : i32
      %dma_wait3A_74 = tpu.memref_slice %arg8[%add3A_53, %dma_wait3A] : memref<102400x4xf32, #tpu.memory_space<vmem_shared>> -> memref<800x4xf32, #tpu.memory_space<vmem_shared>>
      %dma_wait3A_75 = arith.constant 0 : i32
      %dma_wait3A_76 = tpu.memref_slice %arg8[%add3A_53, %dma_wait3A_75] : memref<102400x4xf32, #tpu.memory_space<vmem_shared>> -> memref<800x4xf32, #tpu.memory_space<vmem_shared>>
      tpu.wait_dma2 semaphore(%run_scoped3A : memref<!tpu.dma_semaphore, #tpu.memory_space<semaphore_mem>>) src(%arg7 : memref<800x4xf32, #tpu.memory_space<vmem>>) dst(%dma_wait3A_76 : memref<800x4xf32, #tpu.memory_space<vmem_shared>>)
      tpu.yield
    }) : () -> ()
    %mul3A_54 = arith.constant 6400 : i32
    %mul3A_55 = arith.muli %arg1, %mul3A_54 : i32
    %add3A_56 = arith.constant 5600 : i32
    %add3A_57 = arith.addi %mul3A_55, %add3A_56 : i32
    "tpu.region"() ({
      %run_scoped3A = tpu.sem_alloc : memref<!tpu.dma_semaphore, #tpu.memory_space<semaphore_mem>>
      %dma_start3A = arith.constant 0 : i32
      %dma_start3A_71 = tpu.memref_slice %arg8[%add3A_57, %dma_start3A] : memref<102400x4xf32, #tpu.memory_space<vmem_shared>> -> memref<800x4xf32, #tpu.memory_space<vmem_shared>>
      %dma_start3A_72 = arith.constant 0 : i32
      %dma_start3A_73 = tpu.memref_slice %arg8[%add3A_57, %dma_start3A_72] : memref<102400x4xf32, #tpu.memory_space<vmem_shared>> -> memref<800x4xf32, #tpu.memory_space<vmem_shared>>
      tpu.enqueue_dma source(%arg7 : memref<800x4xf32, #tpu.memory_space<vmem>>) target(%dma_start3A_73 : memref<800x4xf32, #tpu.memory_space<vmem_shared>>) target_semaphore(%run_scoped3A : memref<!tpu.dma_semaphore, #tpu.memory_space<semaphore_mem>>)
      %dma_wait3A = arith.constant 0 : i32
      %dma_wait3A_74 = tpu.memref_slice %arg8[%add3A_57, %dma_wait3A] : memref<102400x4xf32, #tpu.memory_space<vmem_shared>> -> memref<800x4xf32, #tpu.memory_space<vmem_shared>>
      %dma_wait3A_75 = arith.constant 0 : i32
      %dma_wait3A_76 = tpu.memref_slice %arg8[%add3A_57, %dma_wait3A_75] : memref<102400x4xf32, #tpu.memory_space<vmem_shared>> -> memref<800x4xf32, #tpu.memory_space<vmem_shared>>
      tpu.wait_dma2 semaphore(%run_scoped3A : memref<!tpu.dma_semaphore, #tpu.memory_space<semaphore_mem>>) src(%arg7 : memref<800x4xf32, #tpu.memory_space<vmem>>) dst(%dma_wait3A_76 : memref<800x4xf32, #tpu.memory_space<vmem_shared>>)
      tpu.yield
    }) : () -> ()
    %barrier3A = arith.constant 0 : index
    tpu.barrier barrier_id(%barrier3A)
    %mul3A_58 = arith.constant 100000 : i32
    %mul3A_59 = arith.muli %add3A, %mul3A_58 : i32
    %scan3A_60 = arith.constant 0 : i32
    %scan3A_61 = arith.constant 0 : i32
    %scan3A_62 = arith.constant 25 : i32
    %scan3A_63 = arith.addi %scan3A_61, %scan3A_62 : i32
    %scan3A_64 = arith.constant 1 : i32
    scf.for %scan3A_71 = %scan3A_61 to %scan3A_63 step %scan3A_64  : i32 {
      %mul3A_72 = arith.constant 2 : i32
      %mul3A_73 = arith.muli %mul3A_72, %scan3A_71 : i32
      %mul3A_74 = arith.constant 2000 : i32
      %mul3A_75 = arith.muli %mul3A_73, %mul3A_74 : i32
      %add3A_76 = arith.addi %mul3A_59, %mul3A_75 : i32
      "tpu.region"() ({
        %run_scoped3A = tpu.sem_alloc : memref<!tpu.dma_semaphore, #tpu.memory_space<semaphore_mem>>
        %dma_start3A = tpu.memref_slice %arg2[%add3A_76] : memref<3200000xi32, #tpu.memory_space<hbm>> -> memref<2000xi32, #tpu.memory_space<hbm>>
        %dma_start3A_82 = tpu.memref_slice %arg2[%add3A_76] : memref<3200000xi32, #tpu.memory_space<hbm>> -> memref<2000xi32, #tpu.memory_space<hbm>>
        tpu.enqueue_dma source(%dma_start3A_82 : memref<2000xi32, #tpu.memory_space<hbm>>) target(%arg4 : memref<2000xi32, #tpu.memory_space<vmem>>) target_semaphore(%run_scoped3A : memref<!tpu.dma_semaphore, #tpu.memory_space<semaphore_mem>>)
        %dma_wait3A = tpu.memref_slice %arg2[%add3A_76] : memref<3200000xi32, #tpu.memory_space<hbm>> -> memref<2000xi32, #tpu.memory_space<hbm>>
        %dma_wait3A_83 = tpu.memref_slice %arg2[%add3A_76] : memref<3200000xi32, #tpu.memory_space<hbm>> -> memref<2000xi32, #tpu.memory_space<hbm>>
        tpu.wait_dma2 semaphore(%run_scoped3A : memref<!tpu.dma_semaphore, #tpu.memory_space<semaphore_mem>>) src(%dma_wait3A_83 : memref<2000xi32, #tpu.memory_space<hbm>>) dst(%arg4 : memref<2000xi32, #tpu.memory_space<vmem>>)
        tpu.yield
      }) : () -> ()
      "tpu.region"() ({
        %run_scoped3A = tpu.sem_alloc : memref<!tpu.dma_semaphore, #tpu.memory_space<semaphore_mem>>
        %dma_start3A = arith.constant 0 : i32
        %dma_start3A_82 = arith.constant 0 : i32
        %dma_start3A_83 = tpu.memref_slice %arg8[%dma_start3A, %dma_start3A_82] : memref<102400x4xf32, #tpu.memory_space<vmem_shared>> -> memref<102400x4xf32, #tpu.memory_space<vmem_shared>>
        tpu.enqueue_indirect_dma source(%arg6 : memref<2000x4xf32, #tpu.memory_space<vmem>>) target(%dma_start3A_83 : memref<102400x4xf32, #tpu.memory_space<vmem_shared>>) offsets(%arg4 : memref<2000xi32, #tpu.memory_space<vmem>>) semaphore(%run_scoped3A : memref<!tpu.dma_semaphore, #tpu.memory_space<semaphore_mem>>) {add = true}
        %dma_wait3A = arith.constant 0 : i32
        %dma_wait3A_84 = arith.constant 0 : i32
        %dma_wait3A_85 = tpu.memref_slice %arg8[%dma_wait3A, %dma_wait3A_84] : memref<102400x4xf32, #tpu.memory_space<vmem_shared>> -> memref<102400x4xf32, #tpu.memory_space<vmem_shared>>
        tpu.wait_indirect_dma semaphore(%run_scoped3A : memref<!tpu.dma_semaphore, #tpu.memory_space<semaphore_mem>>) src(%arg6 : memref<2000x4xf32, #tpu.memory_space<vmem>>) dst(%dma_wait3A_85 : memref<102400x4xf32, #tpu.memory_space<vmem_shared>>)
        tpu.yield
      }) : () -> ()
      %add3A_77 = arith.constant 1 : i32
      %add3A_78 = arith.addi %mul3A_73, %add3A_77 : i32
      %mul3A_79 = arith.constant 2000 : i32
      %mul3A_80 = arith.muli %add3A_78, %mul3A_79 : i32
      %add3A_81 = arith.addi %mul3A_59, %mul3A_80 : i32
      "tpu.region"() ({
        %run_scoped3A = tpu.sem_alloc : memref<!tpu.dma_semaphore, #tpu.memory_space<semaphore_mem>>
        %dma_start3A = tpu.memref_slice %arg2[%add3A_81] : memref<3200000xi32, #tpu.memory_space<hbm>> -> memref<2000xi32, #tpu.memory_space<hbm>>
        %dma_start3A_82 = tpu.memref_slice %arg2[%add3A_81] : memref<3200000xi32, #tpu.memory_space<hbm>> -> memref<2000xi32, #tpu.memory_space<hbm>>
        tpu.enqueue_dma source(%dma_start3A_82 : memref<2000xi32, #tpu.memory_space<hbm>>) target(%arg5 : memref<2000xi32, #tpu.memory_space<vmem>>) target_semaphore(%run_scoped3A : memref<!tpu.dma_semaphore, #tpu.memory_space<semaphore_mem>>)
        %dma_wait3A = tpu.memref_slice %arg2[%add3A_81] : memref<3200000xi32, #tpu.memory_space<hbm>> -> memref<2000xi32, #tpu.memory_space<hbm>>
        %dma_wait3A_83 = tpu.memref_slice %arg2[%add3A_81] : memref<3200000xi32, #tpu.memory_space<hbm>> -> memref<2000xi32, #tpu.memory_space<hbm>>
        tpu.wait_dma2 semaphore(%run_scoped3A : memref<!tpu.dma_semaphore, #tpu.memory_space<semaphore_mem>>) src(%dma_wait3A_83 : memref<2000xi32, #tpu.memory_space<hbm>>) dst(%arg5 : memref<2000xi32, #tpu.memory_space<vmem>>)
        tpu.yield
      }) : () -> ()
      "tpu.region"() ({
        %run_scoped3A = tpu.sem_alloc : memref<!tpu.dma_semaphore, #tpu.memory_space<semaphore_mem>>
        %dma_start3A = arith.constant 0 : i32
        %dma_start3A_82 = arith.constant 0 : i32
        %dma_start3A_83 = tpu.memref_slice %arg8[%dma_start3A, %dma_start3A_82] : memref<102400x4xf32, #tpu.memory_space<vmem_shared>> -> memref<102400x4xf32, #tpu.memory_space<vmem_shared>>
        tpu.enqueue_indirect_dma source(%arg6 : memref<2000x4xf32, #tpu.memory_space<vmem>>) target(%dma_start3A_83 : memref<102400x4xf32, #tpu.memory_space<vmem_shared>>) offsets(%arg5 : memref<2000xi32, #tpu.memory_space<vmem>>) semaphore(%run_scoped3A : memref<!tpu.dma_semaphore, #tpu.memory_space<semaphore_mem>>) {add = true}
        %dma_wait3A = arith.constant 0 : i32
        %dma_wait3A_84 = arith.constant 0 : i32
        %dma_wait3A_85 = tpu.memref_slice %arg8[%dma_wait3A, %dma_wait3A_84] : memref<102400x4xf32, #tpu.memory_space<vmem_shared>> -> memref<102400x4xf32, #tpu.memory_space<vmem_shared>>
        tpu.wait_indirect_dma semaphore(%run_scoped3A : memref<!tpu.dma_semaphore, #tpu.memory_space<semaphore_mem>>) src(%arg6 : memref<2000x4xf32, #tpu.memory_space<vmem>>) dst(%dma_wait3A_85 : memref<102400x4xf32, #tpu.memory_space<vmem_shared>>)
        tpu.yield
      }) : () -> ()
    }
    %scan3A_65 = arith.constant 25 : i32
    %barrier3A_66 = arith.constant 0 : index
    tpu.barrier barrier_id(%barrier3A_66)
    %mul3A_67 = arith.constant 6400 : i32
    %mul3A_68 = arith.muli %arg1, %mul3A_67 : i32
    %mul3A_69 = arith.constant 6400 : i32
    %mul3A_70 = arith.muli %arg1, %mul3A_69 : i32
    "tpu.region"() ({
      %run_scoped3A = tpu.sem_alloc : memref<!tpu.dma_semaphore, #tpu.memory_space<semaphore_mem>>
      %dma_start3A = arith.constant 0 : i32
      %dma_start3A_71 = tpu.memref_slice %arg3[%arg0, %mul3A_70, %dma_start3A] : memref<2x102400x4xf32, #tpu.memory_space<hbm>> -> memref<1x6400x4xf32, #tpu.memory_space<hbm>>
      %dma_start3A_72 = tpu.memref_squeeze %dma_start3A_71 : memref<1x6400x4xf32, #tpu.memory_space<hbm>> -> memref<6400x4xf32, #tpu.memory_space<hbm>>
      %dma_start3A_73 = arith.constant 0 : i32
      %dma_start3A_74 = tpu.memref_slice %arg8[%mul3A_68, %dma_start3A_73] : memref<102400x4xf32, #tpu.memory_space<vmem_shared>> -> memref<6400x4xf32, #tpu.memory_space<vmem_shared>>
      tpu.enqueue_dma source(%dma_start3A_74 : memref<6400x4xf32, #tpu.memory_space<vmem_shared>>) target(%dma_start3A_72 : memref<6400x4xf32, #tpu.memory_space<hbm>>) target_semaphore(%run_scoped3A : memref<!tpu.dma_semaphore, #tpu.memory_space<semaphore_mem>>)
      %dma_wait3A = arith.constant 0 : i32
      %dma_wait3A_75 = tpu.memref_slice %arg3[%arg0, %mul3A_70, %dma_wait3A] : memref<2x102400x4xf32, #tpu.memory_space<hbm>> -> memref<1x6400x4xf32, #tpu.memory_space<hbm>>
      %dma_wait3A_76 = tpu.memref_squeeze %dma_wait3A_75 : memref<1x6400x4xf32, #tpu.memory_space<hbm>> -> memref<6400x4xf32, #tpu.memory_space<hbm>>
      %dma_wait3A_77 = arith.constant 0 : i32
      %dma_wait3A_78 = tpu.memref_slice %arg8[%mul3A_68, %dma_wait3A_77] : memref<102400x4xf32, #tpu.memory_space<vmem_shared>> -> memref<6400x4xf32, #tpu.memory_space<vmem_shared>>
      tpu.wait_dma2 semaphore(%run_scoped3A : memref<!tpu.dma_semaphore, #tpu.memory_space<semaphore_mem>>) src(%dma_wait3A_78 : memref<6400x4xf32, #tpu.memory_space<vmem_shared>>) dst(%dma_wait3A_76 : memref<6400x4xf32, #tpu.memory_space<hbm>>)
      tpu.yield
    }) : () -> ()
    return
  }
}

module attributes {stable_mosaic.version = 14 : i64} {
  func.func @_tc_gcn_body(%arg0: memref<2x3200x128xf32, #tpu.memory_space<vmem>>, %arg1: memref<128x512xf32, #tpu.memory_space<vmem>>, %arg2: memref<1x512xf32, #tpu.memory_space<vmem>>, %arg3: memref<3200x512xf32, #tpu.memory_space<vmem>>) attributes {dimension_semantics = [], scalar_prefetch = 0 : i64, scratch_operands = 0 : i64, tpu.core_type = #tpu.core_type<tc>} {
    %get3A = arith.constant 0 : index
    %get3A_0 = arith.constant 0 : index
    %get3A_1 = arith.constant 0 : index
    %get3A_2 = vector.load %arg0[%get3A, %get3A_0, %get3A_1] : memref<2x3200x128xf32, #tpu.memory_space<vmem>>, vector<1x3200x128xf32>
    %get3A_3 = vector.shape_cast %get3A_2 : vector<1x3200x128xf32> to vector<3200x128xf32>
    %get3A_4 = arith.constant 1 : index
    %get3A_5 = arith.constant 0 : index
    %get3A_6 = arith.constant 0 : index
    %get3A_7 = vector.load %arg0[%get3A_4, %get3A_5, %get3A_6] : memref<2x3200x128xf32, #tpu.memory_space<vmem>>, vector<1x3200x128xf32>
    %get3A_8 = vector.shape_cast %get3A_7 : vector<1x3200x128xf32> to vector<3200x128xf32>
    %add3A = arith.addf %get3A_3, %get3A_8 : vector<3200x128xf32>
    %get3A_9 = arith.constant 0 : index
    %get3A_10 = arith.constant 0 : index
    %get3A_11 = vector.load %arg1[%get3A_9, %get3A_10] : memref<128x512xf32, #tpu.memory_space<vmem>>, vector<128x512xf32>
    %dot_general3A = arith.constant dense<0.000000e+00> : vector<3200x512xf32>
    %dot_general3A_12 = tpu.matmul %add3A, %get3A_11, %dot_general3A {dimension_numbers = #tpu.dot_dimension_numbers<[1], [0], [0], [1], [0, 0, 1, 1], [], []>, transpose_lhs_hint = false} : vector<3200x128xf32>, vector<128x512xf32>, vector<3200x512xf32> -> vector<3200x512xf32>
    %get3A_13 = arith.constant 0 : index
    %get3A_14 = arith.constant 0 : index
    %get3A_15 = vector.load %arg2[%get3A_13, %get3A_14] : memref<1x512xf32, #tpu.memory_space<vmem>>, vector<1x512xf32>
    %add3A_16 = vector.broadcast %get3A_15 : vector<1x512xf32> to vector<3200x512xf32>
    %add3A_17 = arith.addf %dot_general3A_12, %add3A_16 : vector<3200x512xf32>
    %max3A = arith.constant 0.000000e+00 : f32
    %max3A_18 = vector.broadcast %max3A : f32 to vector<3200x512xf32>
    %max3A_19 = arith.maximumf %add3A_17, %max3A_18 : vector<3200x512xf32>
    %swap3A = arith.constant 0 : index
    %swap3A_20 = arith.constant 0 : index
    %swap3A_21 = vector.load %arg3[%swap3A, %swap3A_20] : memref<3200x512xf32, #tpu.memory_space<vmem>>, vector<3200x512xf32>
    tpu.vector_store %arg3[%swap3A, %swap3A_20], %max3A_19 {strides = array<i32>} : memref<3200x512xf32, #tpu.memory_space<vmem>>, vector<3200x512xf32>,
    return
  }
}

module attributes {stable_mosaic.version = 14 : i64} {
  func.func @_tc_conv_body(%arg0: i32, %arg1: memref<16x1024xf32, #tpu.memory_space<vmem>>, %arg2: memref<16x1024xf32, #tpu.memory_space<vmem>>, %arg3: memref<16x1024xf32, #tpu.memory_space<vmem>>, %arg4: memref<32x16xf32, #tpu.memory_space<vmem>>, %arg5: memref<32x16xf32, #tpu.memory_space<vmem>>, %arg6: memref<32x16xf32, #tpu.memory_space<vmem>>, %arg7: memref<32x1xf32, #tpu.memory_space<vmem>>, %arg8: memref<32x1xf32, #tpu.memory_space<vmem>>, %arg9: memref<1x1xf32, #tpu.memory_space<vmem>>, %arg10: memref<1x1xf32, #tpu.memory_space<vmem>>, %arg11: memref<32x1024xf32, #tpu.memory_space<vmem>>) attributes {dimension_semantics = [#tpu.dimension_semantics<arbitrary>], iteration_bounds = array<i64: 98>, scalar_prefetch = 0 : i64, scratch_operands = 1 : i64, tpu.core_type = #tpu.core_type<tc>, window_params = [{transform_indices = @transform_0, window_bounds = array<i64: 16, 1024>}, {transform_indices = @transform_1, window_bounds = array<i64: 16, 1024>}, {transform_indices = @transform_2, window_bounds = array<i64: 16, 1024>}, {pipeline_mode = #tpu.pipeline_mode<synchronous>, transform_indices = @transform_3, window_bounds = array<i64: 32, 16>}, {pipeline_mode = #tpu.pipeline_mode<synchronous>, transform_indices = @transform_4, window_bounds = array<i64: 32, 16>}, {pipeline_mode = #tpu.pipeline_mode<synchronous>, transform_indices = @transform_5, window_bounds = array<i64: 32, 16>}, {pipeline_mode = #tpu.pipeline_mode<synchronous>, transform_indices = @transform_6, window_bounds = array<i64: 32, 1>}, {pipeline_mode = #tpu.pipeline_mode<synchronous>, transform_indices = @transform_7, window_bounds = array<i64: 32, 1>}, {pipeline_mode = #tpu.pipeline_mode<synchronous>, transform_indices = @transform_8, window_bounds = array<i64: 1, 1>}, {pipeline_mode = #tpu.pipeline_mode<synchronous>, transform_indices = @transform_9, window_bounds = array<i64: 1, 1>}]} {
    %eq3A = arith.constant 0 : i32
    %eq3A_0 = arith.cmpi eq, %arg0, %eq3A : i32
    %convert_element_type3A = arith.extui %eq3A_0 : i1 to i32
    %cond3A = arith.constant 0 : i32
    %cond3A_1 = arith.cmpi ne, %convert_element_type3A, %cond3A : i32
    scf.if %cond3A_1 {
      %broadcast_in_dim3A_48 = arith.constant 0.000000e+00 : f32
      %broadcast_in_dim3A_49 = vector.broadcast %broadcast_in_dim3A_48 : f32 to vector<32x1024xf32>
      %swap3A_50 = arith.constant 0 : index
      %swap3A_51 = arith.constant 0 : index
      %swap3A_52 = vector.load %arg11[%swap3A_50, %swap3A_51] : memref<32x1024xf32, #tpu.memory_space<vmem>>, vector<32x1024xf32>
      tpu.vector_store %arg11[%swap3A_50, %swap3A_51], %broadcast_in_dim3A_49 {strides = array<i32>} : memref<32x1024xf32, #tpu.memory_space<vmem>>, vector<32x1024xf32>,
    } else {
    }
    %get3A = arith.constant 0 : index
    %get3A_2 = arith.constant 0 : index
    %get3A_3 = vector.load %arg4[%get3A, %get3A_2] : memref<32x16xf32, #tpu.memory_space<vmem>>, vector<32x16xf32>
    %get3A_4 = arith.constant 0 : index
    %get3A_5 = arith.constant 0 : index
    %get3A_6 = vector.load %arg2[%get3A_4, %get3A_5] : memref<16x1024xf32, #tpu.memory_space<vmem>>, vector<16x1024xf32>
    %dot_general3A = arith.constant dense<0.000000e+00> : vector<32x1024xf32>
    %dot_general3A_7 = tpu.matmul %get3A_3, %get3A_6, %dot_general3A {dimension_numbers = #tpu.dot_dimension_numbers<[1], [0], [0], [1], [0, 0, 1, 1], [], []>, transpose_lhs_hint = false} : vector<32x16xf32>, vector<16x1024xf32>, vector<32x1024xf32> -> vector<32x1024xf32>
    %get3A_8 = arith.constant 0 : index
    %get3A_9 = arith.constant 0 : index
    %get3A_10 = vector.load %arg5[%get3A_8, %get3A_9] : memref<32x16xf32, #tpu.memory_space<vmem>>, vector<32x16xf32>
    %get3A_11 = arith.constant 0 : index
    %get3A_12 = arith.constant 0 : index
    %get3A_13 = vector.load %arg1[%get3A_11, %get3A_12] : memref<16x1024xf32, #tpu.memory_space<vmem>>, vector<16x1024xf32>
    %dot_general3A_14 = arith.constant dense<0.000000e+00> : vector<32x1024xf32>
    %dot_general3A_15 = tpu.matmul %get3A_10, %get3A_13, %dot_general3A_14 {dimension_numbers = #tpu.dot_dimension_numbers<[1], [0], [0], [1], [0, 0, 1, 1], [], []>, transpose_lhs_hint = false} : vector<32x16xf32>, vector<16x1024xf32>, vector<32x1024xf32> -> vector<32x1024xf32>
    %add3A = arith.addf %dot_general3A_7, %dot_general3A_15 : vector<32x1024xf32>
    %get3A_16 = arith.constant 0 : index
    %get3A_17 = arith.constant 0 : index
    %get3A_18 = vector.load %arg6[%get3A_16, %get3A_17] : memref<32x16xf32, #tpu.memory_space<vmem>>, vector<32x16xf32>
    %get3A_19 = arith.constant 0 : index
    %get3A_20 = arith.constant 0 : index
    %get3A_21 = vector.load %arg3[%get3A_19, %get3A_20] : memref<16x1024xf32, #tpu.memory_space<vmem>>, vector<16x1024xf32>
    %dot_general3A_22 = arith.constant dense<0.000000e+00> : vector<32x1024xf32>
    %dot_general3A_23 = tpu.matmul %get3A_18, %get3A_21, %dot_general3A_22 {dimension_numbers = #tpu.dot_dimension_numbers<[1], [0], [0], [1], [0, 0, 1, 1], [], []>, transpose_lhs_hint = false} : vector<32x16xf32>, vector<16x1024xf32>, vector<32x1024xf32> -> vector<32x1024xf32>
    %add3A_24 = arith.addf %add3A, %dot_general3A_23 : vector<32x1024xf32>
    %get3A_25 = arith.constant 0 : index
    %get3A_26 = arith.constant 0 : index
    %get3A_27 = vector.load %arg7[%get3A_25, %get3A_26] : memref<32x1xf32, #tpu.memory_space<vmem>>, vector<32x1xf32>
    %add3A_28 = vector.broadcast %get3A_27 : vector<32x1xf32> to vector<32x1024xf32>
    %add3A_29 = arith.addf %add3A_24, %add3A_28 : vector<32x1024xf32>
    %max3A = arith.constant 0.000000e+00 : f32
    %max3A_30 = vector.broadcast %max3A : f32 to vector<32x1024xf32>
    %max3A_31 = arith.maximumf %add3A_29, %max3A_30 : vector<32x1024xf32>
    %mul3A = arith.constant 1024 : i32
    %mul3A_32 = arith.muli %arg0, %mul3A : i32
    %iota3A = tpu.iota {dimensions = array<i32: 1>} : vector<32x1024xi32>
    %add3A_33 = vector.broadcast %mul3A_32 : i32 to vector<32x1024xi32>
    %add3A_34 = arith.addi %add3A_33, %iota3A : vector<32x1024xi32>
    %get3A_35 = arith.constant 0 : index
    %get3A_36 = arith.constant 0 : index
    %get3A_37 = vector.load %arg11[%get3A_35, %get3A_36] : memref<32x1024xf32, #tpu.memory_space<vmem>>, vector<32x1024xf32>
    %lt3A = arith.constant 100000 : i32
    %lt3A_38 = vector.broadcast %lt3A : i32 to vector<32x1024xi32>
    %lt3A_39 = arith.cmpi slt, %add3A_34, %lt3A_38 : vector<32x1024xi32>
    %jit3A = arith.constant 0.000000e+00 : f32
    %broadcast_in_dim3A = vector.broadcast %jit3A : f32 to vector<32x1024xf32>
    %select_n3A = arith.select %lt3A_39, %max3A_31, %broadcast_in_dim3A : vector<32x1024xi1>, vector<32x1024xf32>
    %add3A_40 = arith.addf %get3A_37, %select_n3A : vector<32x1024xf32>
    %swap3A = arith.constant 0 : index
    %swap3A_41 = arith.constant 0 : index
    %swap3A_42 = vector.load %arg11[%swap3A, %swap3A_41] : memref<32x1024xf32, #tpu.memory_space<vmem>>, vector<32x1024xf32>
    tpu.vector_store %arg11[%swap3A, %swap3A_41], %add3A_40 {strides = array<i32>} : memref<32x1024xf32, #tpu.memory_space<vmem>>, vector<32x1024xf32>,
    %eq3A_43 = arith.constant 97 : i32
    %eq3A_44 = arith.cmpi eq, %arg0, %eq3A_43 : i32
    %convert_element_type3A_45 = arith.extui %eq3A_44 : i1 to i32
    %cond3A_46 = arith.constant 0 : i32
    %cond3A_47 = arith.cmpi ne, %convert_element_type3A_45, %cond3A_46 : i32
    scf.if %cond3A_47 {
      %get3A_48 = arith.constant 0 : index
      %get3A_49 = arith.constant 0 : index
      %get3A_50 = vector.load %arg11[%get3A_48, %get3A_49] : memref<32x1024xf32, #tpu.memory_space<vmem>>, vector<32x1024xf32>
      %reduce_sum3A = arith.constant dense<0.000000e+00> : vector<32xf32>
      %reduce_sum3A_51 = vector.multi_reduction <add>, %get3A_50, %reduce_sum3A [1] : vector<32x1024xf32> to vector<32xf32>
      %broadcast_in_dim3A_52 = vector.shape_cast %reduce_sum3A_51 : vector<32xf32> to vector<32x1xf32>
      %mul3A_53 = arith.constant 9.99999974E-6 : f32
      %mul3A_54 = vector.broadcast %mul3A_53 : f32 to vector<32x1xf32>
      %mul3A_55 = arith.mulf %broadcast_in_dim3A_52, %mul3A_54 : vector<32x1xf32>
      %get3A_56 = arith.constant 0 : index
      %get3A_57 = arith.constant 0 : index
      %get3A_58 = vector.load %arg8[%get3A_56, %get3A_57] : memref<32x1xf32, #tpu.memory_space<vmem>>, vector<32x1xf32>
      %mul3A_59 = arith.mulf %mul3A_55, %get3A_58 : vector<32x1xf32>
      %reduce_sum3A_60 = vector.shape_cast %mul3A_59 : vector<32x1xf32> to vector<1x32x1xf32>
      %reduce_sum3A_61 = arith.constant dense<0.000000e+00> : vector<1xf32>
      %reduce_sum3A_62 = vector.multi_reduction <add>, %reduce_sum3A_60, %reduce_sum3A_61 [1, 2] : vector<1x32x1xf32> to vector<1xf32>
      %reduce_sum3A_63 = vector.shape_cast %reduce_sum3A_62 : vector<1xf32> to vector<1x1x1xf32>
      %reduce_sum3A_64 = vector.extract %reduce_sum3A_63[0, 0, 0] : f32 from vector<1x1x1xf32>
      %broadcast_in_dim3A_65 = vector.broadcast %reduce_sum3A_64 : f32 to vector<1x1xf32>
      %get3A_66 = arith.constant 0 : index
      %get3A_67 = arith.constant 0 : index
      %get3A_68 = vector.load %arg9[%get3A_66, %get3A_67] : memref<1x1xf32, #tpu.memory_space<vmem>>, vector<1x1xf32>
      %add3A_69 = arith.addf %broadcast_in_dim3A_65, %get3A_68 : vector<1x1xf32>
      %neg3A = arith.constant 0.000000e+00 : f32
      %neg3A_70 = vector.broadcast %neg3A : f32 to vector<1x1xf32>
      %neg3A_71 = arith.subf %neg3A_70, %add3A_69 : vector<1x1xf32>
      %exp3A = math.exp %neg3A_71 : vector<1x1xf32>
      %add3A_72 = arith.constant 1.000000e+00 : f32
      %add3A_73 = vector.broadcast %add3A_72 : f32 to vector<1x1xf32>
      %add3A_74 = arith.addf %add3A_73, %exp3A : vector<1x1xf32>
      %div3A = arith.constant 1.000000e+00 : f32
      %div3A_75 = vector.broadcast %div3A : f32 to vector<1x1xf32>
      %div3A_76 = arith.divf %div3A_75, %add3A_74 : vector<1x1xf32>
      %swap3A_77 = arith.constant 0 : index
      %swap3A_78 = arith.constant 0 : index
      %swap3A_79 = vector.load %arg10[%swap3A_77, %swap3A_78] : memref<1x1xf32, #tpu.memory_space<vmem>>, vector<1x1xf32>
      tpu.vector_store %arg10[%swap3A_77, %swap3A_78], %div3A_76 {strides = array<i32>} : memref<1x1xf32, #tpu.memory_space<vmem>>, vector<1x1xf32>,
    } else {
    }
    return
  }
  func.func @transform_0(%arg0: i32) -> (i32, i32) {
    %c0_i32 = arith.constant 0 : i32
    %c0_i32_0 = arith.constant 0 : i32
    return %c0_i32, %arg0 : i32, i32
  }
  func.func @transform_1(%arg0: i32) -> (i32, i32) {
    %c0_i32 = arith.constant 0 : i32
    %c0_i32_0 = arith.constant 0 : i32
    return %c0_i32, %arg0 : i32, i32
  }
  func.func @transform_2(%arg0: i32) -> (i32, i32) {
    %c0_i32 = arith.constant 0 : i32
    %c0_i32_0 = arith.constant 0 : i32
    return %c0_i32, %arg0 : i32, i32
  }
  func.func @transform_3(%arg0: i32) -> (i32, i32) {
    %c0_i32 = arith.constant 0 : i32
    %c0_i32_0 = arith.constant 0 : i32
    %c0_i32_1 = arith.constant 0 : i32
    return %c0_i32, %c0_i32_0 : i32, i32
  }
  func.func @transform_4(%arg0: i32) -> (i32, i32) {
    %c0_i32 = arith.constant 0 : i32
    %c0_i32_0 = arith.constant 0 : i32
    %c0_i32_1 = arith.constant 0 : i32
    return %c0_i32, %c0_i32_0 : i32, i32
  }
  func.func @transform_5(%arg0: i32) -> (i32, i32) {
    %c0_i32 = arith.constant 0 : i32
    %c0_i32_0 = arith.constant 0 : i32
    %c0_i32_1 = arith.constant 0 : i32
    return %c0_i32, %c0_i32_0 : i32, i32
  }
  func.func @transform_6(%arg0: i32) -> (i32, i32) {
    %c0_i32 = arith.constant 0 : i32
    %c0_i32_0 = arith.constant 0 : i32
    %c0_i32_1 = arith.constant 0 : i32
    return %c0_i32, %c0_i32_0 : i32, i32
  }
  func.func @transform_7(%arg0: i32) -> (i32, i32) {
    %c0_i32 = arith.constant 0 : i32
    %c0_i32_0 = arith.constant 0 : i32
    %c0_i32_1 = arith.constant 0 : i32
    return %c0_i32, %c0_i32_0 : i32, i32
  }
  func.func @transform_8(%arg0: i32) -> (i32, i32) {
    %c0_i32 = arith.constant 0 : i32
    %c0_i32_0 = arith.constant 0 : i32
    %c0_i32_1 = arith.constant 0 : i32
    return %c0_i32, %c0_i32_0 : i32, i32
  }
  func.func @transform_9(%arg0: i32) -> (i32, i32) {
    %c0_i32 = arith.constant 0 : i32
    %c0_i32_0 = arith.constant 0 : i32
    %c0_i32_1 = arith.constant 0 : i32
    return %c0_i32, %c0_i32_0 : i32, i32
  }
}

</mosaic_0001>

<sc_bundles>
// kernel: kernel.6.cloned.1.call-start
scs
__scs_entry_jumppad:
0x0: {  	(pc) =	sbr.rel $0x88, $3  }
0x1: {  	(tag) =	ssettag $0x0;
	lr =	simm.s32 $0x1  }
0x2: {  	[smem:$0x3F99] =	sst lr;
	_ =	strace $0xD0000000  }
0x3: {  	_ = 	snop  }
0x4: {  	_ = 	snop  }
0x5: {  	_ = 	snop  }
0x6: {  	_ = 	snop  }
0x7: {  	_ = 	snop  }
__scs_overlays_trampoline_lowered:
0x8: {  	[smem:$0x3FA8] =	sst s0  }
0x9: {  	[smem:$0x3FA9] =	sst s1  }
0xa: {  	[smem:$0x3FAA] =	sst s2  }
0xb: {  	[smem:$0x3FAB] =	sst s3  }
0xc: {  	[smem:$0x3FAC] =	sst s4  }
0xd: {  	[smem:$0x3FAD] =	sst s5  }
0xe: {  	[smem:$0x3FAE] =	sst s6  }
0xf: {  	[smem:$0x3FAF] =	sst s7  }
0x10: {  	[smem:$0x3FB0] =	sst s8  }
0x11: {  	[smem:$0x3FB1] =	sst s9;
	s0 =	simm.s32 @!p0 $0x0  }
0x12: {  	s1 =	sld [smem:$0x3F97];
	s0 =	simm.s32 @p0 $0x1  }
0x13: {  	[smem:$0x3FB2] =	sst s0;
	s0 =	simm.s32 @!p1 $0x0  }
0x14: {  	s2 =	sld [smem:$0x3F96];
	s0 =	simm.s32 @p1 $0x1  }
0x15: {  	[smem:$0x3FB3] =	sst s0;
	s0 =	simm.s32 @!p2 $0x0  }
0x16: {  	s3 =	sld [smem:$0x3FDB];
	s0 =	simm.s32 @p2 $0x1  }
0x17: {  	s4 =	simm.s32 $0x1BF5;
	[smem:$0x3FB5] =	sst s0  }
0x18: {  	s0 =	sld [smem:$0x3F98];
	_ =	swait.ge [sflag:s4], $0x0  }
0x19: {  	s7 =	sld [smem:$0x3F99]  }
0x1a: {  	s8 =	sadd.s32 $0xFFFFE003, lr  }
0x1b: {  	s9 =	sadd.s32 $0xFFFFFEF7, lr;
	s5 =	simm.s32 $0xFFFFFFFF;
	p2 =	slt.u32 s8, $0xFFFFF086  }
0x1c: {  	p1 =	slt.u32 s9, $0xF7A;
	s5 =	simm.s32 @!p2 $0x0  }
0x1d: {  	s5 =	simm.s32 @p1 $0x1;
	p0 =	seq.s32 s7, s2  }
0x1e: {  	s7 =	smul.u32 @!p0 $0xF7A, s2;
	p2 =	seq.s32 @!p0 s5, $0x0  }
0x1f: {  	s9 =	smul.u32 $0xF7A, s1;
	s8 =	simm.s32 @!p0 $0x1BF5;
	p2 =	por !p2, p0  }
0x20: {  	[sflag:s8] =	ssyncset.s32 @!p0 $0xFFFFF086;
	s6 =	sadd.s32 @!p0 s3, s7;
	s7 =	simm.s32 @!p0 $0x108  }
0x21: {  	s3 =	sadd.s32 s3, s9;
	s6 =	sadd.s32 @!p0 $0x88, s6;
	s7 =	simm.s32 @p2 $0x1082  }
0x22: {  	[simem:s7], [sflag:s8] =	dma.local @!p0 [hbm:s6], $0xF7A  }
0x23: {  	s9 =	sor.u32 $0xD0000000, s2;
	s6 =	simm.s32 $0x108;
	_ =	swait.ge @!p0 [sflag:s8], $0x0  }
0x24: {  	s3 =	sadd.s32 $0x88, s3;
	s6 =	simm.s32 @!p1 $0x1082;
	[sflag:s4] =	ssyncset.s32 $0xFFFFF086  }
0x25: {  	[simem:s6], [sflag:s4] =	dma.local [hbm:s3], $0xF7A  }
0x26: {  	[smem:$0x3F99] =	sst s1;
	(tag) =	ssettag s2;
	_ =	strace s9  }
0x27: {  	s1 =	sld [smem:$0x3FA9]  }
0x28: {  	s2 =	sld [smem:$0x3FAA]  }
0x29: {  	s4 =	sld [smem:$0x3FAC]  }
0x2a: {  	p0 =	seq.s32 s5, $0x0;
	s5 =	sld [smem:$0x3FAD]  }
0x2b: {  	s6 =	sld [smem:$0x3FAE]  }
0x2c: {  	s7 =	sld [smem:$0x3FAF]  }
0x2d: {  	s3 =	simm.s32 $0x108;
	s8 =	sld [smem:$0x3FB0]  }
0x2e: {  	s3 =	simm.s32 @!p0 $0x1082;
	s9 =	sld [smem:$0x3FB1]  }
0x2f: {  	lr =	sadd.s32 s0, s3;
	s0 =	sld [smem:$0x3FA8]  }
0x30: {  	s3 =	sld [smem:$0x3FAB]  }
0x31: {  	[smem:$0x3FB4] =	sst s10  }
0x32: {  	s10 =	sld [smem:$0x3FB2];
	_ =	sdelay $0x3  }
0x33: {  	p0 =	seq.s32 s10, $0x1;
	s10 =	sld [smem:$0x3FB4];
	_ =	sdelay $0x3  }
0x34: {  	[smem:$0x3FB4] =	sst s10  }
0x35: {  	s10 =	sld [smem:$0x3FB3];
	_ =	sdelay $0x3  }
0x36: {  	p1 =	seq.s32 s10, $0x1;
	s10 =	sld [smem:$0x3FB4];
	_ =	sdelay $0x3  }
0x37: {  	[smem:$0x3FB4] =	sst s10  }
0x38: {  	s10 =	sld [smem:$0x3FB5]  }
0x39: {  	_ = 	snop;
	(pc) =	sbr.ind lr, $3  }
0x3a: {  	_ = 	snop  }
0x3b: {  	_ = 	snop  }
0x3c: {  	p2 =	seq.s32 s10, $0x1;
	s10 =	sld [smem:$0x3FB4]  }
0x3d: {  	_ =	shalt  }
0x3e: {  	_ =	shalt  }
0x3f: {  	_ =	shalt  }
0x40: {  	_ =	shalt  }
0x41: {  	_ =	shalt  }
0x42: {  	_ =	shalt  }
0x43: {  	_ =	shalt  }
0x44: {  	_ =	shalt  }
0x45: {  	_ =	shalt  }
0x46: {  	_ =	shalt  }
0x47: {  	_ =	shalt  }
0x48: {  	_ =	shalt  }
0x49: {  	_ =	shalt  }
0x4a: {  	_ =	shalt  }
0x4b: {  	_ =	shalt  }
0x4c: {  	_ =	shalt  }
0x4d: {  	_ =	shalt  }
0x4e: {  	_ =	shalt  }
0x4f: {  	_ =	shalt  }
0x50: {  	_ =	shalt  }
0x51: {  	_ =	shalt  }
0x52: {  	_ =	shalt  }
0x53: {  	_ =	shalt  }
0x54: {  	_ =	shalt  }
0x55: {  	_ =	shalt  }
0x56: {  	_ =	shalt  }
0x57: {  	_ =	shalt  }
0x58: {  	_ =	shalt  }
0x59: {  	_ =	shalt  }
0x5a: {  	_ =	shalt  }
0x5b: {  	_ =	shalt  }
0x5c: {  	_ =	shalt  }
0x5d: {  	_ =	shalt  }
0x5e: {  	_ =	shalt  }
0x5f: {  	_ =	shalt  }
0x60: {  	_ =	shalt  }
0x61: {  	_ =	shalt  }
0x62: {  	_ =	shalt  }
0x63: {  	_ =	shalt  }
0x64: {  	_ =	shalt  }
0x65: {  	_ =	shalt  }
0x66: {  	_ =	shalt  }
0x67: {  	_ =	shalt  }
0x68: {  	_ =	shalt  }
0x69: {  	_ =	shalt  }
0x6a: {  	_ =	shalt  }
0x6b: {  	_ =	shalt  }
0x6c: {  	_ =	shalt  }
0x6d: {  	_ =	shalt  }
0x6e: {  	_ =	shalt  }
0x6f: {  	_ =	shalt  }
0x70: {  	_ =	shalt  }
0x71: {  	_ =	shalt  }
0x72: {  	_ =	shalt  }
0x73: {  	_ =	shalt  }
0x74: {  	_ =	shalt  }
0x75: {  	_ =	shalt  }
0x76: {  	_ =	shalt  }
0x77: {  	_ =	shalt  }
0x78: {  	_ =	shalt  }
0x79: {  	_ =	shalt  }
0x7a: {  	_ =	shalt  }
0x7b: {  	_ =	shalt  }
0x7c: {  	_ =	shalt  }
0x7d: {  	_ =	shalt  }
0x7e: {  	_ =	shalt  }
0x7f: {  	_ =	shalt  }
0x80: {  	_ =	shalt  }
0x81: {  	_ =	shalt  }
0x82: {  	_ =	shalt  }
0x83: {  	_ =	shalt  }
0x84: {  	_ =	shalt  }
0x85: {  	_ =	shalt  }
0x86: {  	_ =	shalt  }
0x87: {  	_ =	shalt  }
.Lfunc_end0:
.L_simem_size_0:
called_computation_lowered:
.L_overlay_start_0:
0x88: {  	s2 =	sld [smem:$0x3FD9]  }
0x89: {  	s3 =	sld [smem:$0x3FFE];
	_ =	sdelay $0x1  }
0x8a: {  	s1 =	srdreg.scid  }
0x8b: {  	s0 =	sand.u32 $0x1, s1  }
0x8c: {  	s16 =	sshll.u32 s0, $0xA;
	s2 =	sadd.s32 s3, s2  }
0x8d: {  	s2 =	sadd.s32 s2, s16  }
0x8e: {  	[smem:$0x3FC0] =	sst s2  }
0x8f: {  	_ = 	snop  }
0x90: {  	(tm) =	ssettm $0x1  }
0x91: {  	s17 =	sld [smem:$0x3FFB];
	_ =	sdelay $0x3  }
0x92: {  	_ =	strace s17  }
0x93: {  	s2 =	sld [smem:$0x3FFC];
	_ =	sdelay $0x3  }
0x94: {  	_ =	strace s2  }
0x95: {  	s2 =	sld [smem:$0x3FFD];
	_ =	sdelay $0x3  }
0x96: {  	_ =	strace s2  }
0x97: {  	_ =	strace $0x8FFFFFFF  }
0x98: {  	s18 =	sld [smem:$0x3FDB];
	_ =	sdelay $0x1  }
0x99: {  	s19 =	simm.s32 $_scs_section_size  }
0x9a: {  	s4 =	simm.s32 $_size__tile_overlayer_lowered;
	s5 =	simm.s32 $_tile_overlayer_lowered  }
0x9b: {  	s22 =	simm.s32 $0x1BFF;
	s21 =	sshll.u32 s5, $0x1;
	s2 =	sadd.s32 s19, s18  }
0x9c: {  	s6 =	simm.s32 $0x0;
	s20 =	sshll.u32 s4, $0x1;
	s4 =	sadd.s32 s21, s2  }
0x9d: {  	[timem:s6], [sflag:s22] =	dma.local [hbm:s4], s20  }
0x9e: {  	_ =	swait.ge [sflag:s22], s20  }
0x9f: {  	s3 =	ssub.s32 $0x0, s20;
	[sflag:s22] =	ssyncset.done $0x0  }
0xa0: {  	[sflag:s22] =	ssyncadd.s32 s3;
	_ =	sdelay $0x1  }
0xa1: {  	s23 =	simm.s32 $0x1B8B  }
0xa2: {  	_ =	swait.ge [sflag:s23], $0x1  }
0xa3: {  	[sflag:s23] =	ssyncset.done $0x0  }
0xa4: {  	s25 =	simm.s32 $0x1B8E;
	s24 =	sld [smem:$0x3FFE];
	[sflag:s23] =	ssyncadd.s32 $0xFFFFFFFF  }
0xa5: {  	s26 =	simm.s32 $execute0_lowered;
	[smem:$0x3FD2] =	sst s25  }
0xa6: {  	s4 =	sshll.u32 s26, $0x1;
	_ =	strace $0x80000046;
	[dreg:$0x1] =	wrdreg $0xFFFFFFFF  }
0xa7: {  	s28 =	simm.s32 $_size_execute0_lowered;
	s2 =	sadd.s32 s2, s4;
	[dreg:$0x0] =	wrdreg $0x0  }
0xa8: {  	s4 =	sshll.u32 s28, $0x1;
	[dreg:$0x2] =	wrdreg s2  }
0xa9: {  	[dreg:$0x3] =	wrdreg s4  }
0xaa: {  	[dreg:$0x4] =	wrdreg $0xC0  }
0xab: {  	_ =	task [dreg:s6], $0x5FFFF  }
0xac: {  	[dreg:$0x1] =	wrdreg $0xFFFFFFFF  }
0xad: {  	[dreg:$0x0] =	wrdreg $0x60  }
0xae: {  	[dreg:$0x2] =	wrdreg s24  }
0xaf: {  	[dreg:$0x3] =	wrdreg $0x67200  }
0xb0: {  	[dreg:$0x4] =	wrdreg $0x9  }
0xb1: {  	_ =	task.clear_ibuf [dreg:s6], $0x5FFFF;
	_ =	strace $0x90000046  }
0xb2: {  	s29 =	simm.s32 $0x9;
	_ =	strace $0x80000048  }
0xb3: {  	_ =	swait.ge [sflag:s29], $0x1  }
0xb4: {  	[sflag:s29] =	ssyncadd.s32 $0xFFFFFFFF  }
0xb5: {  	_ =	strace $0x90000048  }
0xb6: {  	_ =	sfence  }
0xb7: {  	s30 =	sld [smem:$0x0];
	_ =	sdelay $0x2  }
0xb8: {  	s31 =	sshll.u32 s1, $0xD;
	s1 =	sshrl.u32 s1, $0x2  }
0xb9: {  	s3 =	sand.u32 $0x4000, s31;
	s1 =	sadd.s32 s1, s30  }
0xba: {  	s0 =	sor.u32 s3, s0;
	s1 =	sshll.u32 s1, $0x11  }
0xbb: {  	s0 =	sor.u32 s1, s0  }
0xbc: {  	s0 =	sadd.s32 $0x8F2B, s0  }
0xbd: {  	[sflag:s0] =	ssyncadd.remote.s32 $0x1  }
0xbe: {  	_ =	sfence.sel $0xFFFF  }
0xbf: {  	[dreg:$0x0] =	wrdreg $0xFFFFFFFF;
	(pc) =	sbr.abs _section_cstart, $3  }
0xc0: {  	[dreg:$0x1] =	wrdreg $0xFFFFFFFF  }
0xc1: {  	_ =	task.clear_ibuf [dreg:s6], $0x2FFFF;
	_ =	strace $0x9FFFFFFF  }
0xc2: {  	(tm) =	ssettm $0x7FFFFFFF  }
0xc3: {  	_ =	shalt  }
tec
execute0_lowered:
.L_overlay_start_1:
0x0: {  	(tag) =	ssettag $0x1  }
0x1: {  	s1 =	srdreg.scid;
	s4 =	rddreg [dreg:$0x0]  }
0x2: {  	s0 =	stileid.u32;
	s2 =	rddreg [dreg:$0x1];
	s3 =	simm.s32 $0x0  }
0x3: {  	s17 =	simm.s32 $0x4E20;
	s18 =	simm.s32 $0x1;
	s6 =	smul.u32 $0xC800, s0  }
0x4: {  	s19 =	simm.s32 $0x7D0;
	s20 =	simm.s32 $0x0;
	s8 =	smul.u32 $0x32000, s0  }
0x5: {  	s5 =	sand.u32 $0x1, s1;
	s1 =	rddreg [dreg:$0x2];
	s10 =	smul.u32 $0x186A0, s0  }
0x6: {  	[smem:$0x7FF] =	sst s3;
	s15 =	sadd.s32 $0x1C00, s4;
	s7 =	smul.u32 $0xC8000, s5  }
0x7: {  	_ =	strace $0x80000047;
	s30 =	ssub.s32 $0x2, s5;
	s9 =	smul.u32 $0x186A00, s5  }
0x8: {  	s31 =	sshrl.u32 s30, $0x1;
	s8 =	sshrl.u32 s8, $0x2;
	s7 =	sadd.s32 s6, s7  }
0x9: {  	s13 =	ssub.s32 s30, s31;
	s11 =	sadd.s32 s8, s2;
	s16 =	sadd.s32 s10, s9  }
0xa: {  	s7 =	sshrl.u32 s7, $0x3;
	s5 =	sadd.s32 $0x1900, s11;
	s8 =	sadd.s32 $0x6400, s11  }
0xb: {  	s9 =	sadd.s32 $0x7D00, s11;
	s10 =	sadd.s32 $0x9600, s11;
	s14 =	sadd.s32 $0x7D0, s16  }
0xc: {  	s13 =	smax.u32 s13, $0x1;
	s16 =	sshrl.u32 s16, $0x3;
	s12 =	sadd.s32 s7, s4  }
0xd: {  	v1 =	vlaneseq.u32;
	s4 =	sadd.s32 s6, s2;
	s6 =	sadd.s32 $0x3200, s11;
	s7 =	sadd.s32 $0x4B00, s11  }
0xe: {  	v2 =	vimm.f32 $1.000000000e+00;
	v0 =	vshrl.u32 v1, $0x2;
	s11 =	sadd.s32 $0xAF00, s11;
	s14 =	sshrl.u32 s14, $0x3;
	s12 =	sadd.s32 $0xC5400, s12  }
0xf: {  	v3 =	vimm.f32 $0.0e+00;
	v1 =	vand.u32 $0x3, v1;
	v0 =	vmul.u32 $0x8, v0;
	s14 =	sadd.s32 s14, s15;
	s15 =	sadd.s32 s16, s15;
	s16 =	simm.s32 $0xFA0  }
.LBB2_1:
0x10: {  	s21 =	simm.s32 $0x0  }
.LBB2_2:
0x11: {  	v4 =	vmov s21  }
0x12: {  	v4 =	vshll.u32 v4, $0x3  }
0x13: {  	v4 =	vor.u32 v0, v4  }
0x14: {  	p0 =	sne.s32 s21, $0x7CC;
	v4 =	vor.u32 v1, v4  }
.Ltmp0:
0x15: {  	_ = 	snop;
	(pc) =	sbr.rel @p0 .LBB2_2-.Ltmp0, $2  }
0x16: {  	_ =	sdelay $0x2  }
0x17: {  	s21 =	sadd.s32 $0x4, s21;
	[tilespmem:v4+s16+$0x0] =	vst.idx.msk $0xffff, v2  }
0x18: {  	s21 =	simm.s32 $0x0  }
0x19: {  	v4 =	vmov s21  }
0x1a: {  	v4 =	vshll.u32 v4, $0x3  }
0x1b: {  	v4 =	vor.u32 v0, v4  }
0x1c: {  	s21 =	simm.s32 $0x4;
	v4 =	vor.u32 v1, v4  }
.LBB2_4:
0x1d: {  	p0 =	sne.s32 s21, $0x31C  }
.Ltmp1:
0x1e: {  	_ = 	snop;
	(pc) =	sbr.rel @p0 .LBB2_4-.Ltmp1, $4  }
0x1f: {  	v5 =	vmov s21  }
0x20: {  	v5 =	vshll.u32 v5, $0x3  }
0x21: {  	v5 =	vor.u32 v0, v5  }
0x22: {  	s21 =	sadd.s32 $0x4, s21;
	[tilespmem:v4+s17+$0x0] =	vst.idx.msk $0xffff, v3;
	v4 =	vor.u32 v1, v5  }
0x23: {  	_ =	sdelay $0x3  }
0x24: {  	[tilespmem:v4+s17+$0x0] =	vst.idx.msk $0xffff, v3  }
0x25: {  	[spmem:s4] =	stream.linear.scatter [tilespmem:s17], [sflag:$0x1], $0x1900, $0x38;
	[tilespmem:$0xCB20] =	vst v63  }
0x26: {  	_ =	swait.ge [sflag:s18], $0x1900  }
0x27: {  	[sflag:s18] =	ssyncset.done $0x0  }
0x28: {  	[sflag:s18] =	ssyncadd.s32 $0xFFFFE700  }
0x29: {  	[spmem:s5] =	stream.linear.scatter [tilespmem:s17], [sflag:$0x1], $0x1900, $0x38;
	[tilespmem:$0xCB20] =	vst v63  }
0x2a: {  	_ =	swait.ge [sflag:s18], $0x1900  }
0x2b: {  	[sflag:s18] =	ssyncset.done $0x0  }
0x2c: {  	[sflag:s18] =	ssyncadd.s32 $0xFFFFE700  }
0x2d: {  	[spmem:s6] =	stream.linear.scatter [tilespmem:s17], [sflag:$0x1], $0x1900, $0x38;
	[tilespmem:$0xCB20] =	vst v63  }
0x2e: {  	_ =	swait.ge [sflag:s18], $0x1900  }
0x2f: {  	[sflag:s18] =	ssyncset.done $0x0  }
0x30: {  	[sflag:s18] =	ssyncadd.s32 $0xFFFFE700  }
0x31: {  	[spmem:s7] =	stream.linear.scatter [tilespmem:s17], [sflag:$0x1], $0x1900, $0x38;
	[tilespmem:$0xCB20] =	vst v63  }
0x32: {  	_ =	swait.ge [sflag:s18], $0x1900  }
0x33: {  	[sflag:s18] =	ssyncset.done $0x0  }
0x34: {  	[sflag:s18] =	ssyncadd.s32 $0xFFFFE700  }
0x35: {  	[spmem:s8] =	stream.linear.scatter [tilespmem:s17], [sflag:$0x1], $0x1900, $0x38;
	[tilespmem:$0xCB20] =	vst v63  }
0x36: {  	_ =	swait.ge [sflag:s18], $0x1900  }
0x37: {  	[sflag:s18] =	ssyncset.done $0x0  }
0x38: {  	[sflag:s18] =	ssyncadd.s32 $0xFFFFE700  }
0x39: {  	[spmem:s9] =	stream.linear.scatter [tilespmem:s17], [sflag:$0x1], $0x1900, $0x38;
	[tilespmem:$0xCB20] =	vst v63  }
0x3a: {  	_ =	swait.ge [sflag:s18], $0x1900  }
0x3b: {  	[sflag:s18] =	ssyncset.done $0x0  }
0x3c: {  	[sflag:s18] =	ssyncadd.s32 $0xFFFFE700  }
0x3d: {  	[spmem:s10] =	stream.linear.scatter [tilespmem:s17], [sflag:$0x1], $0x1900, $0x38;
	[tilespmem:$0xCB20] =	vst v63  }
0x3e: {  	_ =	swait.ge [sflag:s18], $0x1900  }
0x3f: {  	[sflag:s18] =	ssyncset.done $0x0  }
0x40: {  	[sflag:s18] =	ssyncadd.s32 $0xFFFFE700  }
0x41: {  	[spmem:s11] =	stream.linear.scatter [tilespmem:s17], [sflag:$0x1], $0x1900, $0x38;
	[tilespmem:$0xCB20] =	vst v63  }
0x42: {  	_ =	swait.ge [sflag:s18], $0x1900  }
0x43: {  	[sflag:s18] =	ssyncset.done $0x0  }
0x44: {  	[sflag:s18] =	ssyncadd.s32 $0xFFFFE700  }
0x45: {  	s21 =	sadd.s32 $0x0, s15;
	[bflag:$0x0] =	sbarrier.arrive $0xFFFF  }
0x46: {  	[tilespmem:s3], [sflag:$0x1] =	stream.linear.gather [hbm4b:s21+s3], $0x7D0, $0x38;
	[tilespmem:$0xCB20] =	vst v63  }
0x47: {  	_ =	swait.ge [sflag:s18], $0x7D0  }
0x48: {  	[sflag:s18] =	ssyncset.done $0x0  }
0x49: {  	[sflag:s18] =	ssyncadd.s32 $0xFFFFF830  }
0x4a: {  	[spmem:s2] =	stream.indirect.scatter.add.f32 [tilespmem:s16], [sflag:$0x1], $0x4, s3, s19, $0xb8;
	[tilespmem:$0xCB20] =	vst v63  }
0x4b: {  	_ =	swait.ge [sflag:s18], $0x1F40  }
0x4c: {  	[sflag:s18] =	ssyncset.done $0x0  }
0x4d: {  	s31 =	sadd.s32 $0x0, s14;
	[sflag:s18] =	ssyncadd.s32 $0xFFFFE0C0  }
0x4e: {  	[tilespmem:s19], [sflag:$0x1] =	stream.linear.gather [hbm4b:s31+s3], $0x7D0, $0x38;
	[tilespmem:$0xCB20] =	vst v63  }
0x4f: {  	_ =	swait.ge [sflag:s18], $0x7D0  }
0x50: {  	[sflag:s18] =	ssyncset.done $0x0  }
0x51: {  	[sflag:s18] =	ssyncadd.s32 $0xFFFFF830  }
0x52: {  	[spmem:s2] =	stream.indirect.scatter.add.f32 [tilespmem:s16], [sflag:$0x1], $0x4, s19, s19, $0xb8;
	[tilespmem:$0xCB20] =	vst v63  }
0x53: {  	_ =	swait.ge [sflag:s18], $0x1F40  }
0x54: {  	s22 =	simm.s32 $0x3E8;
	s21 =	simm.s32 $0x1F4;
	[sflag:s18] =	ssyncset.done $0x0  }
.LBB2_6:
0x55: {  	s23 =	sadd.s32 s21, s15  }
0x56: {  	[sflag:s18] =	ssyncadd.s32 $0xFFFFE0C0;
	s24 =	smov.u32 s22;
	s25 =	sadd.s32 $0x1F4, s22  }
0x57: {  	[tilespmem:s3], [sflag:$0x1] =	stream.linear.gather [hbm4b:s23+s3], $0x7D0, $0x38;
	[tilespmem:$0xCB20] =	vst v63  }
0x58: {  	p0 =	sne.s32 s22, $0x2EE0;
	_ =	swait.ge [sflag:s18], $0x7D0  }
0x59: {  	[sflag:s18] =	ssyncset.done $0x0  }
0x5a: {  	[sflag:s18] =	ssyncadd.s32 $0xFFFFF830  }
0x5b: {  	[spmem:s2] =	stream.indirect.scatter.add.f32 [tilespmem:s16], [sflag:$0x1], $0x4, s3, s19, $0xb8;
	[tilespmem:$0xCB20] =	vst v63  }
0x5c: {  	_ =	swait.ge [sflag:s18], $0x1F40  }
0x5d: {  	[sflag:s18] =	ssyncset.done $0x0  }
0x5e: {  	s22 =	sadd.s32 s21, s14;
	s21 =	smov.u32 s24;
	[sflag:s18] =	ssyncadd.s32 $0xFFFFE0C0  }
0x5f: {  	[tilespmem:s19], [sflag:$0x1] =	stream.linear.gather [hbm4b:s22+s3], $0x7D0, $0x38;
	[tilespmem:$0xCB20] =	vst v63  }
0x60: {  	_ =	swait.ge [sflag:s18], $0x7D0  }
.Ltmp2:
0x61: {  	[sflag:s18] =	ssyncset.done $0x0;
	(pc) =	sbr.rel @p0 .LBB2_6-.Ltmp2, $4  }
0x62: {  	[sflag:s18] =	ssyncadd.s32 $0xFFFFF830  }
0x63: {  	[spmem:s2] =	stream.indirect.scatter.add.f32 [tilespmem:s16], [sflag:$0x1], $0x4, s19, s19, $0xb8;
	[tilespmem:$0xCB20] =	vst v63  }
0x64: {  	_ =	swait.ge [sflag:s18], $0x1F40  }
0x65: {  	s22 =	smov.u32 s25;
	[sflag:s18] =	ssyncset.done $0x0  }
0x66: {  	s22 =	sadd.s32 s21, s15;
	[sflag:s18] =	ssyncadd.s32 $0xFFFFE0C0  }
0x67: {  	[tilespmem:s3], [sflag:$0x1] =	stream.linear.gather [hbm4b:s22+s3], $0x7D0, $0x38;
	[tilespmem:$0xCB20] =	vst v63  }
0x68: {  	_ =	swait.ge [sflag:s18], $0x7D0  }
0x69: {  	[sflag:s18] =	ssyncset.done $0x0  }
0x6a: {  	[sflag:s18] =	ssyncadd.s32 $0xFFFFF830  }
0x6b: {  	[spmem:s2] =	stream.indirect.scatter.add.f32 [tilespmem:s16], [sflag:$0x1], $0x4, s3, s19, $0xb8;
	[tilespmem:$0xCB20] =	vst v63  }
0x6c: {  	_ =	swait.ge [sflag:s18], $0x1F40  }
0x6d: {  	[sflag:s18] =	ssyncset.done $0x0  }
0x6e: {  	s29 =	sadd.s32 s21, s14;
	[sflag:s18] =	ssyncadd.s32 $0xFFFFE0C0  }
0x6f: {  	[tilespmem:s19], [sflag:$0x1] =	stream.linear.gather [hbm4b:s29+s3], $0x7D0, $0x38;
	[tilespmem:$0xCB20] =	vst v63  }
0x70: {  	_ =	swait.ge [sflag:s18], $0x7D0  }
0x71: {  	[sflag:s18] =	ssyncset.done $0x0  }
0x72: {  	[sflag:s18] =	ssyncadd.s32 $0xFFFFF830  }
0x73: {  	[spmem:s2] =	stream.indirect.scatter.add.f32 [tilespmem:s16], [sflag:$0x1], $0x4, s19, s19, $0xb8;
	[tilespmem:$0xCB20] =	vst v63  }
0x74: {  	_ =	swait.ge [sflag:s18], $0x1F40  }
0x75: {  	s30 =	sshll.u32 s0, $0x6;
	s20 =	sadd.s32 $0x1, s20;
	[sflag:s18] =	ssyncset.done $0x0  }
0x76: {  	s31 =	sshrl.u32 s4, $0x3;
	p0 =	sne.s32 s20, s13;
	[sflag:s18] =	ssyncadd.s32 $0xFFFFE0C0  }
.Ltmp3:
0x77: {  	s21 =	sor.u32 $0x1C01, s30;
	[bflag:$0x0] =	sbarrier.arrive $0xFFFF;
	(pc) =	sbr.rel @p0 .LBB2_1-.Ltmp3, $4  }
0x78: {  	[hbm:s12], [sflag:s21] =	dma.local [spmem:s31], $0x1900  }
0x79: {  	_ =	swait.ge [sflag:s18], $0x1900  }
0x7a: {  	[sflag:s18] =	ssyncset.done $0x0  }
0x7b: {  	[sflag:s18] =	ssyncadd.s32 $0xFFFFE700  }
0x7c: {  	_ =	sfence.sel $0x180000  }
0x7d: {  	[bflag:$0x0] =	sbarrier.arrive $0xFFFF  }
0x7e: {  	p0 =	sne.s32 s0, $0x0;
	_ =	strace $0x90000047  }
0x7f: {  	s0 =	sadd.s32 @!p0 $0x100000, s1;
	[bflag:$0x2] =	sbarrier.arrive $0xFFFF  }
0x80: {  	[sflag:s0] =	ssyncadd.tile.s32 @!p0 $0x1;
	_ =	shalt  }
.Lfunc_end2:
_tile_overlayer_lowered:
.L_overlay_start_2:
0x81: {  	(tag) =	ssettag $0x2  }
0x82: {  	s0 =	rddreg [dreg:$0x0];
	s2 =	stileid.u32  }
0x83: {  	s1 =	rddreg [dreg:$0x1];
	p0 =	sne.s32 s2, $0x0  }
0x84: {  	s3 =	rddreg [dreg:$0x2];
	[bflag:$0x3] =	sbarrier.arrive $0xFFFF;
	s2 =	simm.s32 @!p0 $0x1C01  }
0x85: {  	[timem:s3], [sflag:s2] =	dma.local @!p0 [hbm:s0], s1  }
0x86: {  	s0 =	simm.s32 @!p0 $0x1  }
0x87: {  	_ =	swait.ge @!p0 [sflag:s0], s1  }
0x88: {  	s1 =	ssub.s32 @!p0 $0x0, s1;
	[sflag:s0] =	ssyncset.done @!p0 $0x0  }
0x89: {  	[sflag:s0] =	ssyncadd.s32 @!p0 s1  }
0x8a: {  	[bflag:$0x3] =	sbarrier.arrive $0xFFFF  }
0x8b: {  	_ =	shalt  }

// kernel: kernel.9.cloned.1.call-start
scs
__scs_entry_jumppad:
0x0: {  	(pc) =	sbr.rel $0x88, $3  }
0x1: {  	(tag) =	ssettag $0x0;
	lr =	simm.s32 $0x1  }
0x2: {  	[smem:$0x3F99] =	sst lr;
	_ =	strace $0xD0000000  }
0x3: {  	_ = 	snop  }
0x4: {  	_ = 	snop  }
0x5: {  	_ = 	snop  }
0x6: {  	_ = 	snop  }
0x7: {  	_ = 	snop  }
__scs_overlays_trampoline_lowered:
0x8: {  	[smem:$0x3FA8] =	sst s0  }
0x9: {  	[smem:$0x3FA9] =	sst s1  }
0xa: {  	[smem:$0x3FAA] =	sst s2  }
0xb: {  	[smem:$0x3FAB] =	sst s3  }
0xc: {  	[smem:$0x3FAC] =	sst s4  }
0xd: {  	[smem:$0x3FAD] =	sst s5  }
0xe: {  	[smem:$0x3FAE] =	sst s6  }
0xf: {  	[smem:$0x3FAF] =	sst s7  }
0x10: {  	[smem:$0x3FB0] =	sst s8  }
0x11: {  	[smem:$0x3FB1] =	sst s9;
	s0 =	simm.s32 @!p0 $0x0  }
0x12: {  	s1 =	sld [smem:$0x3F97];
	s0 =	simm.s32 @p0 $0x1  }
0x13: {  	[smem:$0x3FB2] =	sst s0;
	s0 =	simm.s32 @!p1 $0x0  }
0x14: {  	s2 =	sld [smem:$0x3F96];
	s0 =	simm.s32 @p1 $0x1  }
0x15: {  	[smem:$0x3FB3] =	sst s0;
	s0 =	simm.s32 @!p2 $0x0  }
0x16: {  	s3 =	sld [smem:$0x3FDB];
	s0 =	simm.s32 @p2 $0x1  }
0x17: {  	s4 =	simm.s32 $0x1BF5;
	[smem:$0x3FB5] =	sst s0  }
0x18: {  	s0 =	sld [smem:$0x3F98];
	_ =	swait.ge [sflag:s4], $0x0  }
0x19: {  	s7 =	sld [smem:$0x3F99]  }
0x1a: {  	s8 =	sadd.s32 $0xFFFFE003, lr  }
0x1b: {  	s9 =	sadd.s32 $0xFFFFFEF7, lr;
	s5 =	simm.s32 $0xFFFFFFFF;
	p2 =	slt.u32 s8, $0xFFFFF086  }
0x1c: {  	p1 =	slt.u32 s9, $0xF7A;
	s5 =	simm.s32 @!p2 $0x0  }
0x1d: {  	s5 =	simm.s32 @p1 $0x1;
	p0 =	seq.s32 s7, s2  }
0x1e: {  	s7 =	smul.u32 @!p0 $0xF7A, s2;
	p2 =	seq.s32 @!p0 s5, $0x0  }
0x1f: {  	s9 =	smul.u32 $0xF7A, s1;
	s8 =	simm.s32 @!p0 $0x1BF5;
	p2 =	por !p2, p0  }
0x20: {  	[sflag:s8] =	ssyncset.s32 @!p0 $0xFFFFF086;
	s6 =	sadd.s32 @!p0 s3, s7;
	s7 =	simm.s32 @!p0 $0x108  }
0x21: {  	s3 =	sadd.s32 s3, s9;
	s6 =	sadd.s32 @!p0 $0x88, s6;
	s7 =	simm.s32 @p2 $0x1082  }
0x22: {  	[simem:s7], [sflag:s8] =	dma.local @!p0 [hbm:s6], $0xF7A  }
0x23: {  	s9 =	sor.u32 $0xD0000000, s2;
	s6 =	simm.s32 $0x108;
	_ =	swait.ge @!p0 [sflag:s8], $0x0  }
0x24: {  	s3 =	sadd.s32 $0x88, s3;
	s6 =	simm.s32 @!p1 $0x1082;
	[sflag:s4] =	ssyncset.s32 $0xFFFFF086  }
0x25: {  	[simem:s6], [sflag:s4] =	dma.local [hbm:s3], $0xF7A  }
0x26: {  	[smem:$0x3F99] =	sst s1;
	(tag) =	ssettag s2;
	_ =	strace s9  }
0x27: {  	s1 =	sld [smem:$0x3FA9]  }
0x28: {  	s2 =	sld [smem:$0x3FAA]  }
0x29: {  	s4 =	sld [smem:$0x3FAC]  }
0x2a: {  	p0 =	seq.s32 s5, $0x0;
	s5 =	sld [smem:$0x3FAD]  }
0x2b: {  	s6 =	sld [smem:$0x3FAE]  }
0x2c: {  	s7 =	sld [smem:$0x3FAF]  }
0x2d: {  	s3 =	simm.s32 $0x108;
	s8 =	sld [smem:$0x3FB0]  }
0x2e: {  	s3 =	simm.s32 @!p0 $0x1082;
	s9 =	sld [smem:$0x3FB1]  }
0x2f: {  	lr =	sadd.s32 s0, s3;
	s0 =	sld [smem:$0x3FA8]  }
0x30: {  	s3 =	sld [smem:$0x3FAB]  }
0x31: {  	[smem:$0x3FB4] =	sst s10  }
0x32: {  	s10 =	sld [smem:$0x3FB2];
	_ =	sdelay $0x3  }
0x33: {  	p0 =	seq.s32 s10, $0x1;
	s10 =	sld [smem:$0x3FB4];
	_ =	sdelay $0x3  }
0x34: {  	[smem:$0x3FB4] =	sst s10  }
0x35: {  	s10 =	sld [smem:$0x3FB3];
	_ =	sdelay $0x3  }
0x36: {  	p1 =	seq.s32 s10, $0x1;
	s10 =	sld [smem:$0x3FB4];
	_ =	sdelay $0x3  }
0x37: {  	[smem:$0x3FB4] =	sst s10  }
0x38: {  	s10 =	sld [smem:$0x3FB5]  }
0x39: {  	_ = 	snop;
	(pc) =	sbr.ind lr, $3  }
0x3a: {  	_ = 	snop  }
0x3b: {  	_ = 	snop  }
0x3c: {  	p2 =	seq.s32 s10, $0x1;
	s10 =	sld [smem:$0x3FB4]  }
0x3d: {  	_ =	shalt  }
0x3e: {  	_ =	shalt  }
0x3f: {  	_ =	shalt  }
0x40: {  	_ =	shalt  }
0x41: {  	_ =	shalt  }
0x42: {  	_ =	shalt  }
0x43: {  	_ =	shalt  }
0x44: {  	_ =	shalt  }
0x45: {  	_ =	shalt  }
0x46: {  	_ =	shalt  }
0x47: {  	_ =	shalt  }
0x48: {  	_ =	shalt  }
0x49: {  	_ =	shalt  }
0x4a: {  	_ =	shalt  }
0x4b: {  	_ =	shalt  }
0x4c: {  	_ =	shalt  }
0x4d: {  	_ =	shalt  }
0x4e: {  	_ =	shalt  }
0x4f: {  	_ =	shalt  }
0x50: {  	_ =	shalt  }
0x51: {  	_ =	shalt  }
0x52: {  	_ =	shalt  }
0x53: {  	_ =	shalt  }
0x54: {  	_ =	shalt  }
0x55: {  	_ =	shalt  }
0x56: {  	_ =	shalt  }
0x57: {  	_ =	shalt  }
0x58: {  	_ =	shalt  }
0x59: {  	_ =	shalt  }
0x5a: {  	_ =	shalt  }
0x5b: {  	_ =	shalt  }
0x5c: {  	_ =	shalt  }
0x5d: {  	_ =	shalt  }
0x5e: {  	_ =	shalt  }
0x5f: {  	_ =	shalt  }
0x60: {  	_ =	shalt  }
0x61: {  	_ =	shalt  }
0x62: {  	_ =	shalt  }
0x63: {  	_ =	shalt  }
0x64: {  	_ =	shalt  }
0x65: {  	_ =	shalt  }
0x66: {  	_ =	shalt  }
0x67: {  	_ =	shalt  }
0x68: {  	_ =	shalt  }
0x69: {  	_ =	shalt  }
0x6a: {  	_ =	shalt  }
0x6b: {  	_ =	shalt  }
0x6c: {  	_ =	shalt  }
0x6d: {  	_ =	shalt  }
0x6e: {  	_ =	shalt  }
0x6f: {  	_ =	shalt  }
0x70: {  	_ =	shalt  }
0x71: {  	_ =	shalt  }
0x72: {  	_ =	shalt  }
0x73: {  	_ =	shalt  }
0x74: {  	_ =	shalt  }
0x75: {  	_ =	shalt  }
0x76: {  	_ =	shalt  }
0x77: {  	_ =	shalt  }
0x78: {  	_ =	shalt  }
0x79: {  	_ =	shalt  }
0x7a: {  	_ =	shalt  }
0x7b: {  	_ =	shalt  }
0x7c: {  	_ =	shalt  }
0x7d: {  	_ =	shalt  }
0x7e: {  	_ =	shalt  }
0x7f: {  	_ =	shalt  }
0x80: {  	_ =	shalt  }
0x81: {  	_ =	shalt  }
0x82: {  	_ =	shalt  }
0x83: {  	_ =	shalt  }
0x84: {  	_ =	shalt  }
0x85: {  	_ =	shalt  }
0x86: {  	_ =	shalt  }
0x87: {  	_ =	shalt  }
.Lfunc_end0:
.L_simem_size_0:
called_computation.1_lowered:
.L_overlay_start_0:
0x88: {  	s2 =	sld [smem:$0x3FD9]  }
0x89: {  	s3 =	sld [smem:$0x3FFE];
	_ =	sdelay $0x1  }
0x8a: {  	s1 =	srdreg.scid  }
0x8b: {  	s0 =	sand.u32 $0x1, s1  }
0x8c: {  	s16 =	sshll.u32 s0, $0xA;
	s2 =	sadd.s32 s3, s2  }
0x8d: {  	s2 =	sadd.s32 s2, s16  }
0x8e: {  	[smem:$0x3FC0] =	sst s2  }
0x8f: {  	_ = 	snop  }
0x90: {  	(tm) =	ssettm $0x1  }
0x91: {  	s17 =	sld [smem:$0x3FFB];
	_ =	sdelay $0x3  }
0x92: {  	_ =	strace s17  }
0x93: {  	s2 =	sld [smem:$0x3FFC];
	_ =	sdelay $0x3  }
0x94: {  	_ =	strace s2  }
0x95: {  	s2 =	sld [smem:$0x3FFD];
	_ =	sdelay $0x3  }
0x96: {  	_ =	strace s2  }
0x97: {  	_ =	strace $0x8FFFFFFF  }
0x98: {  	s18 =	sld [smem:$0x3FDB];
	_ =	sdelay $0x1  }
0x99: {  	s19 =	simm.s32 $_scs_section_size  }
0x9a: {  	s4 =	simm.s32 $_size__tile_overlayer_lowered;
	s5 =	simm.s32 $_tile_overlayer_lowered  }
0x9b: {  	s22 =	simm.s32 $0x1BFF;
	s21 =	sshll.u32 s5, $0x1;
	s2 =	sadd.s32 s19, s18  }
0x9c: {  	s6 =	simm.s32 $0x0;
	s20 =	sshll.u32 s4, $0x1;
	s4 =	sadd.s32 s21, s2  }
0x9d: {  	[timem:s6], [sflag:s22] =	dma.local [hbm:s4], s20  }
0x9e: {  	_ =	swait.ge [sflag:s22], s20  }
0x9f: {  	s3 =	ssub.s32 $0x0, s20;
	[sflag:s22] =	ssyncset.done $0x0  }
0xa0: {  	[sflag:s22] =	ssyncadd.s32 s3;
	_ =	sdelay $0x1  }
0xa1: {  	s23 =	simm.s32 $0x1B8B  }
0xa2: {  	_ =	swait.ge [sflag:s23], $0x1  }
0xa3: {  	[sflag:s23] =	ssyncset.done $0x0  }
0xa4: {  	s25 =	simm.s32 $0x1B8E;
	s24 =	sld [smem:$0x3FFE];
	[sflag:s23] =	ssyncadd.s32 $0xFFFFFFFF  }
0xa5: {  	s26 =	simm.s32 $execute0_lowered;
	[smem:$0x3FD2] =	sst s25  }
0xa6: {  	s4 =	sshll.u32 s26, $0x1;
	_ =	strace $0x80000049;
	[dreg:$0x1] =	wrdreg $0xFFFFFFFF  }
0xa7: {  	s28 =	simm.s32 $_size_execute0_lowered;
	s2 =	sadd.s32 s2, s4;
	[dreg:$0x0] =	wrdreg $0x0  }
0xa8: {  	s4 =	sshll.u32 s28, $0x1;
	[dreg:$0x2] =	wrdreg s2  }
0xa9: {  	[dreg:$0x3] =	wrdreg s4  }
0xaa: {  	[dreg:$0x4] =	wrdreg $0xC0  }
0xab: {  	_ =	task [dreg:s6], $0x5FFFF  }
0xac: {  	[dreg:$0x1] =	wrdreg $0xFFFFFFFF  }
0xad: {  	[dreg:$0x0] =	wrdreg $0x60  }
0xae: {  	[dreg:$0x2] =	wrdreg s24  }
0xaf: {  	[dreg:$0x3] =	wrdreg $0x12F200  }
0xb0: {  	[dreg:$0x4] =	wrdreg $0xCB200  }
0xb1: {  	[dreg:$0x5] =	wrdreg $0x9  }
0xb2: {  	_ =	task.clear_ibuf [dreg:s6], $0x6FFFF;
	_ =	strace $0x90000049  }
0xb3: {  	s29 =	simm.s32 $0x9;
	_ =	strace $0x8000004B  }
0xb4: {  	_ =	swait.ge [sflag:s29], $0x1  }
0xb5: {  	[sflag:s29] =	ssyncadd.s32 $0xFFFFFFFF  }
0xb6: {  	_ =	strace $0x9000004B  }
0xb7: {  	_ =	sfence  }
0xb8: {  	s30 =	sld [smem:$0x0];
	_ =	sdelay $0x2  }
0xb9: {  	s31 =	sshll.u32 s1, $0xD;
	s1 =	sshrl.u32 s1, $0x2  }
0xba: {  	s3 =	sand.u32 $0x4000, s31;
	s1 =	sadd.s32 s1, s30  }
0xbb: {  	s0 =	sor.u32 s3, s0;
	s1 =	sshll.u32 s1, $0x11  }
0xbc: {  	s0 =	sor.u32 s1, s0  }
0xbd: {  	s0 =	sadd.s32 $0x8F2B, s0  }
0xbe: {  	[sflag:s0] =	ssyncadd.remote.s32 $0x1  }
0xbf: {  	_ =	sfence.sel $0xFFFF  }
0xc0: {  	[dreg:$0x0] =	wrdreg $0xFFFFFFFF;
	(pc) =	sbr.abs _section_cstart, $3  }
0xc1: {  	[dreg:$0x1] =	wrdreg $0xFFFFFFFF  }
0xc2: {  	_ =	task.clear_ibuf [dreg:s6], $0x2FFFF;
	_ =	strace $0x9FFFFFFF  }
0xc3: {  	(tm) =	ssettm $0x7FFFFFFF  }
tec
execute0_lowered:
.L_overlay_start_1:
0x0: {  	(tag) =	ssettag $0x1  }
0x1: {  	s0 =	srdreg.scid  }
0x2: {  	s1 =	rddreg [dreg:$0x0];
	s13 =	stileid.u32  }
0x3: {  	s2 =	rddreg [dreg:$0x1];
	s4 =	simm.s32 $0x0;
	s28 =	simm.s32 $0x4E20  }
0x4: {  	s29 =	simm.s32 $0xB220;
	s30 =	simm.s32 $0x7D0;
	s31 =	simm.s32 $0xFA0  }
0x5: {  	s0 =	sand.u32 $0x1, s0;
	s6 =	smul.u32 $0x186A0, s13;
	[smem:$0x7FF] =	sst s4  }
0x6: {  	s8 =	smul.u32 $0x32000, s13;
	s7 =	sadd.s32 $0x103C00, s1;
	s18 =	sadd.s32 $0xDE400, s1  }
0x7: {  	s3 =	rddreg [dreg:$0x2];
	s5 =	smul.u32 $0x186A00, s0;
	_ =	strace $0x8000004A  }
0x8: {  	s10 =	ssub.s32 $0x2, s0;
	s19 =	smul.u32 $0x64000, s0;
	s12 =	sshrl.u32 s8, $0x2  }
0x9: {  	s0 =	simm.s32 $0x5AA0;
	s11 =	sshrl.u32 s10, $0x1;
	s12 =	sadd.s32 s12, s2  }
0xa: {  	s8 =	smul.u32 $0x1900, s13;
	s20 =	sadd.s32 $0x1900, s12;
	[dreg:$0x4] =	wrdreg s12  }
0xb: {  	s5 =	sadd.s32 s6, s5;
	s21 =	sadd.s32 $0x3200, s12;
	[dreg:$0x5] =	wrdreg s20  }
0xc: {  	s6 =	sadd.s32 $0xF7400, s1;
	s22 =	sadd.s32 $0x4B00, s12;
	[dreg:$0x6] =	wrdreg s21  }
0xd: {  	s11 =	ssub.s32 s10, s11;
	s23 =	sadd.s32 $0x6400, s12;
	[dreg:$0x7] =	wrdreg s22  }
0xe: {  	s10 =	smul.u32 $0xC8, s13;
	s24 =	sadd.s32 $0x7D00, s12;
	[dreg:$0x8] =	wrdreg s23  }
0xf: {  	s5 =	sshrl.u32 s5, $0x3;
	s25 =	sadd.s32 $0x9600, s12;
	[dreg:$0x9] =	wrdreg s24  }
0x10: {  	vm0 =	vcmask $0x1310;
	vm1 =	vcmask $0x300;
	s12 =	sadd.s32 $0xAF00, s12;
	s26 =	smax.u32 s11, $0x1;
	[dreg:$0xa] =	wrdreg s25  }
0x11: {  	vm0 =	vmor vm1, vm0;
	vm1 =	vcmask $0x2320;
	s11 =	simm.s32 $0x0;
	s9 =	sadd.s32 s5, s1;
	[dreg:$0xb] =	wrdreg s12  }
0x12: {  	v2 =	vlaneseq.u32;
	vm0 =	vmor vm0, vm1;
	vm1 =	vcmask $0x3330;
	s5 =	sadd.s32 $0xC5400, s1;
	[dreg:$0xc] =	wrdreg s26;
	s23 =	simm.s32 $0x9920  }
0x13: {  	v0 =	vshrl.u32 v2, $0x2;
	vm0 =	vmor vm0, vm1;
	s24 =	simm.s32 $0x2;
	s25 =	simm.s32 $0x6720;
	s26 =	simm.s32 $0x8020  }
0x14: {  	v3 =	vimm.f32 $0.0e+00;
	v2 =	vand.u32 $0x3, v2;
	v1 =	vmul.u32 $0x8, v0;
	s1 =	simm.s32 $0x1;
	s21 =	sadd.s32 $0x1C00, s9;
	s22 =	sadd.s32 $0x63800, s9  }
.LBB2_1:
0x15: {  	v4 =	vmov s4  }
0x16: {  	v4 =	vshll.u32 v4, $0x3  }
0x17: {  	v4 =	vor.u32 v1, v4  }
0x18: {  	s9 =	simm.s32 $0x4;
	v4 =	vor.u32 v2, v4  }
.LBB2_2:
0x19: {  	p0 =	sne.s32 s9, $0x31C  }
.Ltmp0:
0x1a: {  	_ = 	snop;
	(pc) =	sbr.rel @p0 .LBB2_2-.Ltmp0, $4  }
0x1b: {  	v5 =	vmov s9  }
0x1c: {  	v5 =	vshll.u32 v5, $0x3  }
0x1d: {  	v5 =	vor.u32 v1, v5  }
0x1e: {  	s9 =	sadd.s32 $0x4, s9;
	[tilespmem:v4+s23+$0x0] =	vst.idx.msk $0xffff, v3;
	v4 =	vor.u32 v2, v5  }
0x1f: {  	_ =	sdelay $0x2  }
0x20: {  	[dreg:$0xd] =	wrdreg s11  }
0x21: {  	[tilespmem:v4+s23+$0x0] =	vst.idx.msk $0xffff, v3;
	s9 =	rddreg [dreg:$0x4]  }
0x22: {  	[spmem:s9] =	stream.linear.scatter [tilespmem:s23], [sflag:$0x2], $0x1900, $0x38;
	[tilespmem:$0x19320] =	vst v63  }
0x23: {  	_ =	swait.ge [sflag:s24], $0x1900  }
0x24: {  	[sflag:s24] =	ssyncset.done $0x0  }
0x25: {  	s12 =	rddreg [dreg:$0x5];
	[sflag:s24] =	ssyncadd.s32 $0xFFFFE700  }
0x26: {  	[spmem:s12] =	stream.linear.scatter [tilespmem:s23], [sflag:$0x2], $0x1900, $0x38;
	[tilespmem:$0x19320] =	vst v63  }
0x27: {  	_ =	swait.ge [sflag:s24], $0x1900  }
0x28: {  	[sflag:s24] =	ssyncset.done $0x0  }
0x29: {  	s13 =	rddreg [dreg:$0x6];
	[sflag:s24] =	ssyncadd.s32 $0xFFFFE700  }
0x2a: {  	[spmem:s13] =	stream.linear.scatter [tilespmem:s23], [sflag:$0x2], $0x1900, $0x38;
	[tilespmem:$0x19320] =	vst v63  }
0x2b: {  	_ =	swait.ge [sflag:s24], $0x1900  }
0x2c: {  	[sflag:s24] =	ssyncset.done $0x0  }
0x2d: {  	s14 =	rddreg [dreg:$0x7];
	[sflag:s24] =	ssyncadd.s32 $0xFFFFE700  }
0x2e: {  	[spmem:s14] =	stream.linear.scatter [tilespmem:s23], [sflag:$0x2], $0x1900, $0x38;
	[tilespmem:$0x19320] =	vst v63  }
0x2f: {  	_ =	swait.ge [sflag:s24], $0x1900  }
0x30: {  	[sflag:s24] =	ssyncset.done $0x0  }
0x31: {  	s15 =	rddreg [dreg:$0x8];
	[sflag:s24] =	ssyncadd.s32 $0xFFFFE700  }
0x32: {  	[spmem:s15] =	stream.linear.scatter [tilespmem:s23], [sflag:$0x2], $0x1900, $0x38;
	[tilespmem:$0x19320] =	vst v63  }
0x33: {  	_ =	swait.ge [sflag:s24], $0x1900  }
0x34: {  	[sflag:s24] =	ssyncset.done $0x0  }
0x35: {  	s16 =	rddreg [dreg:$0x9];
	[sflag:s24] =	ssyncadd.s32 $0xFFFFE700  }
0x36: {  	[spmem:s16] =	stream.linear.scatter [tilespmem:s23], [sflag:$0x2], $0x1900, $0x38;
	[tilespmem:$0x19320] =	vst v63  }
0x37: {  	_ =	swait.ge [sflag:s24], $0x1900  }
0x38: {  	[sflag:s24] =	ssyncset.done $0x0  }
0x39: {  	s17 =	rddreg [dreg:$0xa];
	[sflag:s24] =	ssyncadd.s32 $0xFFFFE700  }
0x3a: {  	[spmem:s17] =	stream.linear.scatter [tilespmem:s23], [sflag:$0x2], $0x1900, $0x38;
	[tilespmem:$0x19320] =	vst v63  }
0x3b: {  	_ =	swait.ge [sflag:s24], $0x1900  }
0x3c: {  	[sflag:s24] =	ssyncset.done $0x0  }
0x3d: {  	s20 =	rddreg [dreg:$0xb];
	[sflag:s24] =	ssyncadd.s32 $0xFFFFE700  }
0x3e: {  	[spmem:s20] =	stream.linear.scatter [tilespmem:s23], [sflag:$0x2], $0x1900, $0x38;
	[tilespmem:$0x19320] =	vst v63  }
0x3f: {  	_ =	swait.ge [sflag:s24], $0x1900  }
0x40: {  	s12 =	simm.s32 $0x0;
	[sflag:s24] =	ssyncset.done $0x0  }
0x41: {  	s13 =	simm.s32 $0x0;
	s14 =	simm.s32 $0x0;
	[sflag:s24] =	ssyncadd.s32 $0xFFFFE700  }
.LBB2_4:
0x42: {  	s9 =	smul.u32 $0x320, s14;
	_ =	sdelay $0x1  }
0x43: {  	s15 =	sadd.s32 s8, s9  }
0x44: {  	s9 =	sadd.s32 s5, s15  }
0x45: {  	[tilespmem:s25], [sflag:$0x2] =	stream.linear.gather [hbm4b:s9+s12], $0x1900, $0x38;
	[tilespmem:$0x19320] =	vst v63  }
0x46: {  	_ =	swait.ge [sflag:s24], $0x1900  }
0x47: {  	[sflag:s24] =	ssyncset.done $0x0  }
0x48: {  	s11 =	smul.u32 $0x19, s14;
	s17 =	sadd.s32 s15, s18;
	[sflag:s24] =	ssyncadd.s32 $0xFFFFE700  }
0x49: {  	v4 =	vmov s12;
	[tilespmem:s26], [sflag:$0x2] =	stream.linear.gather [hbm4b:s17+s12], $0x1900, $0x38;
	[tilespmem:$0x19320] =	vst v63  }
0x4a: {  	v4 =	vshll.u32 v4, $0x3;
	s20 =	sadd.s32 s10, s11;
	_ =	swait.ge [sflag:s24], $0x1900  }
0x4b: {  	v4 =	vor.u32 v1, v4;
	s9 =	sshll.u32 s20, $0x4;
	[sflag:s24] =	ssyncset.done $0x0  }
0x4c: {  	v4 =	vor.u32 v2, v4;
	s9 =	sadd.s32 s6, s9;
	[sflag:s24] =	ssyncadd.s32 $0xFFFFE700  }
0x4d: {  	[tilespmem:s28], [sflag:$0x2] =	stream.linear.gather [hbm4b:s9+s12], $0xC80, $0x38;
	[tilespmem:$0x19320] =	vst v63  }
0x4e: {  	_ =	swait.ge [sflag:s24], $0xC80  }
0x4f: {  	[sflag:s24] =	ssyncset.done $0x0  }
0x50: {  	[sflag:s24] =	ssyncadd.s32 $0xFFFFF380  }
0x51: {  	v5 =	vld.idx.msk [tilespmem:v4+s26+$0x0], $0xffff  }
0x52: {  	v6 =	vld.idx.msk [tilespmem:v4+s25+$0x0], $0xffff;
	_ =	sdelay $0x4  }
0x53: {  	v5 =	vadd.f32 v5, v6;
	_ =	sdelay $0x1  }
0x54: {  	v5 =	vadd.f32 $1.000000000e+00, v5;
	_ =	sdelay $0x1  }
0x55: {  	v6 =	vshra.s32 v5, $0x1;
	v5 =	vmul.f32 $5.000000000e-01, v5  }
0x56: {  	v6 =	vsub.s32 $0x5F3759DF, v6  }
0x57: {  	v7 =	vmul.f32 v6, v5;
	_ =	sdelay $0x1  }
0x58: {  	v7 =	vmul.f32 v6, v7;
	_ =	sdelay $0x1  }
0x59: {  	v7 =	vsub.f32 $1.500000000e+00, v7;
	_ =	sdelay $0x1  }
0x5a: {  	v6 =	vmul.f32 v6, v7;
	_ =	sdelay $0x1  }
0x5b: {  	v7 =	vmul.f32 v6, v5;
	_ =	sdelay $0x1  }
0x5c: {  	v7 =	vmul.f32 v7, v6;
	_ =	sdelay $0x1  }
0x5d: {  	v7 =	vsub.f32 $1.500000000e+00, v7;
	_ =	sdelay $0x1  }
0x5e: {  	v6 =	vmul.f32 v7, v6;
	_ =	sdelay $0x1  }
0x5f: {  	v5 =	vmul.f32 v6, v5;
	_ =	sdelay $0x1  }
0x60: {  	v5 =	vmul.f32 v5, v6  }
0x61: {  	s11 =	sand.u32 $0xFF0, s12  }
0x62: {  	s16 =	simm.s32 $0x4;
	v9 =	vsub.f32 $1.500000000e+00, v5;
	v5 =	vld [tilespmem:s11+$0x4E20]  }
0x63: {  	v7 =	vmov s16  }
0x64: {  	s17 =	sadd.s32 $0x0, s13;
	v7 =	vshll.u32 v7, $0x3  }
0x65: {  	s20 =	simm.s32 $0x8;
	v8 =	vor.u32 v1, v7;
	v7 =	vor.u32 s17, v0;
	s17 =	simm.s32 $0x0;
	v6 =	vmul.f32 v9, v6  }
.LBB2_5:
0x66: {  	p0 =	sne.s32 s20, $0x31C;
	v8 =	vor.u32 v2, v8  }
0x67: {  	v5 =	vmul.f32 v6, v5;
	_ =	sdelay $0x1  }
0x68: {  	[tilespmem:v4+s23+$0x0] =	vst.idx.msk $0xffff, v5;
	v4 =	vmov v8  }
0x69: {  	[tilespmem:v7+s29+$0x0] =	vst.idx.msk vm0, v6  }
0x6a: {  	v5 =	vld.idx.msk [tilespmem:v8+s26+$0x0], $0xffff  }
0x6b: {  	v6 =	vld.idx.msk [tilespmem:v8+s25+$0x0], $0xffff;
	_ =	sdelay $0x5  }
0x6c: {  	v5 =	vadd.f32 v5, v6;
	_ =	sdelay $0x1  }
0x6d: {  	v5 =	vadd.f32 $1.000000000e+00, v5;
	_ =	sdelay $0x1  }
0x6e: {  	v6 =	vshra.s32 v5, $0x1;
	v5 =	vmul.f32 $5.000000000e-01, v5  }
0x6f: {  	v6 =	vsub.s32 $0x5F3759DF, v6  }
0x70: {  	v7 =	vmul.f32 v6, v5;
	_ =	sdelay $0x1  }
0x71: {  	v7 =	vmul.f32 v6, v7;
	_ =	sdelay $0x1  }
0x72: {  	v7 =	vsub.f32 $1.500000000e+00, v7;
	_ =	sdelay $0x1  }
0x73: {  	v6 =	vmul.f32 v6, v7;
	_ =	sdelay $0x1  }
0x74: {  	v7 =	vmul.f32 v6, v5;
	_ =	sdelay $0x1  }
0x75: {  	v7 =	vmul.f32 v7, v6;
	_ =	sdelay $0x1  }
0x76: {  	v7 =	vsub.f32 $1.500000000e+00, v7;
	_ =	sdelay $0x1  }
0x77: {  	v6 =	vmul.f32 v7, v6;
	_ =	sdelay $0x1  }
0x78: {  	v5 =	vmul.f32 v6, v5  }
0x79: {  	s17 =	sadd.s32 $0x10, s17  }
.Ltmp1:
0x7a: {  	s9 =	sand.u32 $0xFF0, s17;
	v7 =	vmul.f32 v5, v6;
	(pc) =	sbr.rel @p0 .LBB2_5-.Ltmp1, $4  }
0x7b: {  	v5 =	vld [tilespmem:s9+$0x4E20]  }
0x7c: {  	v8 =	vmov s20;
	v7 =	vsub.f32 $1.500000000e+00, v7  }
0x7d: {  	v8 =	vshll.u32 v8, $0x3;
	s9 =	sadd.s32 s16, s13;
	s16 =	smov.u32 s20  }
0x7e: {  	v8 =	vor.u32 v1, v8;
	s20 =	sadd.s32 $0x4, s20;
	v6 =	vmul.f32 v7, v6;
	v7 =	vor.u32 s9, v0  }
0x7f: {  	_ = 	snop  }
0x80: {  	v8 =	vor.u32 v2, v8  }
0x81: {  	v5 =	vmul.f32 v6, v5;
	_ =	sdelay $0x1  }
0x82: {  	[tilespmem:v4+s23+$0x0] =	vst.idx.msk $0xffff, v5  }
0x83: {  	[tilespmem:v7+s29+$0x0] =	vst.idx.msk vm0, v6  }
0x84: {  	v4 =	vld.idx.msk [tilespmem:v8+s26+$0x0], $0xffff  }
0x85: {  	v5 =	vld.idx.msk [tilespmem:v8+s25+$0x0], $0xffff;
	_ =	sdelay $0x4  }
0x86: {  	v4 =	vadd.f32 v4, v5;
	_ =	sdelay $0x1  }
0x87: {  	v4 =	vadd.f32 $1.000000000e+00, v4;
	_ =	sdelay $0x1  }
0x88: {  	v5 =	vshra.s32 v4, $0x1;
	v4 =	vmul.f32 $5.000000000e-01, v4  }
0x89: {  	v5 =	vsub.s32 $0x5F3759DF, v5  }
0x8a: {  	v62 =	vmul.f32 v5, v4;
	_ =	sdelay $0x1  }
0x8b: {  	v6 =	vmul.f32 v5, v62;
	_ =	sdelay $0x1  }
0x8c: {  	v6 =	vsub.f32 $1.500000000e+00, v6;
	_ =	sdelay $0x1  }
0x8d: {  	v5 =	vmul.f32 v5, v6;
	_ =	sdelay $0x1  }
0x8e: {  	v6 =	vmul.f32 v5, v4;
	_ =	sdelay $0x1  }
0x8f: {  	v6 =	vmul.f32 v6, v5;
	_ =	sdelay $0x1  }
0x90: {  	v6 =	vsub.f32 $1.500000000e+00, v6;
	_ =	sdelay $0x1  }
0x91: {  	v5 =	vmul.f32 v6, v5;
	_ =	sdelay $0x1  }
0x92: {  	v4 =	vmul.f32 v5, v4  }
0x93: {  	s9 =	sadd.s32 $0x10, s17  }
0x94: {  	s9 =	sand.u32 $0xFF0, s9;
	v4 =	vmul.f32 v4, v5  }
0x95: {  	v63 =	vld [tilespmem:s9+$0x4E20]  }
0x96: {  	v4 =	vsub.f32 $1.500000000e+00, v4  }
0x97: {  	s17 =	sadd.s32 s16, s13  }
0x98: {  	v4 =	vmul.f32 v4, v5;
	v5 =	vor.u32 s17, v0;
	_ =	sdelay $0x1  }
0x99: {  	v6 =	vmul.f32 v4, v63  }
0x9a: {  	s20 =	sshll.u32 s15, $0x3;
	s14 =	sadd.s32 $0x1, s14  }
0x9b: {  	p0 =	sne.s32 s14, $0x8;
	s9 =	sand.u32 $0x3FFFFFF8, s20;
	[tilespmem:v8+s23+$0x0] =	vst.idx.msk $0xffff, v6  }
.Ltmp2:
0x9c: {  	s9 =	sadd.s32 s9, s3;
	[tilespmem:v5+s29+$0x0] =	vst.idx.msk vm0, v4;
	(pc) =	sbr.rel @p0 .LBB2_4-.Ltmp2, $4  }
0x9d: {  	[spmem:s9] =	stream.linear.scatter [tilespmem:s23], [sflag:$0x2], $0x1900, $0x38;
	[tilespmem:$0x19320] =	vst v63  }
0x9e: {  	_ =	swait.ge [sflag:s24], $0x1900  }
0x9f: {  	[sflag:s24] =	ssyncset.done $0x0  }
0xa0: {  	s13 =	sadd.s32 $0x320, s13;
	[sflag:s24] =	ssyncadd.s32 $0xFFFFE700  }
0xa1: {  	[bflag:$0x0] =	sbarrier.arrive $0xFFFF;
	s9 =	sadd.s32 $0x0, s22  }
0xa2: {  	[tilespmem:s4], [sflag:$0x2] =	stream.linear.gather [hbm4b:s9+s4], $0x7D0, $0x38;
	[tilespmem:$0x19320] =	vst v63  }
0xa3: {  	_ =	swait.ge [sflag:s24], $0x7D0  }
0xa4: {  	[sflag:s24] =	ssyncset.done $0x0  }
0xa5: {  	s20 =	sadd.s32 $0x0, s21;
	[sflag:s24] =	ssyncadd.s32 $0xFFFFF830  }
0xa6: {  	[tilespmem:s30], [sflag:$0x2] =	stream.linear.gather [hbm4b:s20+s4], $0x7D0, $0x38;
	[tilespmem:$0x19320] =	vst v63  }
0xa7: {  	_ =	swait.ge [sflag:s24], $0x7D0  }
0xa8: {  	[sflag:s24] =	ssyncset.done $0x0  }
0xa9: {  	[sflag:s24] =	ssyncadd.s32 $0xFFFFF830  }
0xaa: {  	[tilespmem:s31], [sflag:$0x1] =	stream.indirect.gather [spmem:s3], $0x4, s4, s30, $0xb8;
	[tilespmem:$0x19320] =	vst v63  }
0xab: {  	_ =	swait.ge [sflag:s1], $0x1F40  }
0xac: {  	[sflag:s1] =	ssyncset.done $0x0  }
0xad: {  	[sflag:s1] =	ssyncadd.s32 $0xFFFFE0C0  }
0xae: {  	[spmem:s2] =	stream.indirect.scatter.add.f32 [tilespmem:s31], [sflag:$0x2], $0x4, s30, s30, $0xb8;
	[tilespmem:$0x19320] =	vst v63  }
0xaf: {  	_ =	swait.ge [sflag:s24], $0x1F40  }
0xb0: {  	s12 =	simm.s32 $0xFA;
	s9 =	simm.s32 $0x1F4;
	[sflag:s24] =	ssyncset.done $0x0  }
.LBB2_8:
0xb1: {  	s11 =	sadd.s32 s12, s22  }
0xb2: {  	[sflag:s24] =	ssyncadd.s32 $0xFFFFE0C0;
	s13 =	smov.u32 s9;
	s14 =	sadd.s32 $0xFA, s9  }
0xb3: {  	[tilespmem:s4], [sflag:$0x2] =	stream.linear.gather [hbm4b:s11+s4], $0x7D0, $0x38;
	[tilespmem:$0x19320] =	vst v63  }
0xb4: {  	p0 =	sne.s32 s9, $0x2FDA;
	_ =	swait.ge [sflag:s24], $0x7D0  }
0xb5: {  	[sflag:s24] =	ssyncset.done $0x0  }
0xb6: {  	s9 =	sadd.s32 s12, s21;
	s12 =	smov.u32 s13;
	[sflag:s24] =	ssyncadd.s32 $0xFFFFF830  }
0xb7: {  	[tilespmem:s30], [sflag:$0x2] =	stream.linear.gather [hbm4b:s9+s4], $0x7D0, $0x38;
	[tilespmem:$0x19320] =	vst v63  }
0xb8: {  	_ =	swait.ge [sflag:s24], $0x7D0  }
0xb9: {  	[sflag:s24] =	ssyncset.done $0x0  }
0xba: {  	[sflag:s24] =	ssyncadd.s32 $0xFFFFF830  }
0xbb: {  	[tilespmem:s31], [sflag:$0x1] =	stream.indirect.gather [spmem:s3], $0x4, s4, s30, $0xb8;
	[tilespmem:$0x19320] =	vst v63  }
0xbc: {  	_ =	swait.ge [sflag:s1], $0x1F40  }
.Ltmp3:
0xbd: {  	[sflag:s1] =	ssyncset.done $0x0;
	(pc) =	sbr.rel @p0 .LBB2_8-.Ltmp3, $4  }
0xbe: {  	[sflag:s1] =	ssyncadd.s32 $0xFFFFE0C0  }
0xbf: {  	[spmem:s2] =	stream.indirect.scatter.add.f32 [tilespmem:s31], [sflag:$0x2], $0x4, s30, s30, $0xb8;
	[tilespmem:$0x19320] =	vst v63  }
0xc0: {  	_ =	swait.ge [sflag:s24], $0x1F40  }
0xc1: {  	s9 =	smov.u32 s14;
	[sflag:s24] =	ssyncset.done $0x0  }
0xc2: {  	s9 =	sadd.s32 s12, s22;
	[sflag:s24] =	ssyncadd.s32 $0xFFFFE0C0  }
0xc3: {  	[tilespmem:s4], [sflag:$0x2] =	stream.linear.gather [hbm4b:s9+s4], $0x7D0, $0x38;
	[tilespmem:$0x19320] =	vst v63  }
0xc4: {  	_ =	swait.ge [sflag:s24], $0x7D0  }
0xc5: {  	[sflag:s24] =	ssyncset.done $0x0  }
0xc6: {  	s20 =	sadd.s32 s12, s21;
	[sflag:s24] =	ssyncadd.s32 $0xFFFFF830  }
0xc7: {  	[tilespmem:s30], [sflag:$0x2] =	stream.linear.gather [hbm4b:s20+s4], $0x7D0, $0x38;
	[tilespmem:$0x19320] =	vst v63  }
0xc8: {  	_ =	swait.ge [sflag:s24], $0x7D0  }
0xc9: {  	[sflag:s24] =	ssyncset.done $0x0  }
0xca: {  	[sflag:s24] =	ssyncadd.s32 $0xFFFFF830  }
0xcb: {  	[tilespmem:s31], [sflag:$0x1] =	stream.indirect.gather [spmem:s3], $0x4, s4, s30, $0xb8;
	[tilespmem:$0x19320] =	vst v63  }
0xcc: {  	_ =	swait.ge [sflag:s1], $0x1F40  }
0xcd: {  	[sflag:s1] =	ssyncset.done $0x0  }
0xce: {  	[sflag:s1] =	ssyncadd.s32 $0xFFFFE0C0  }
0xcf: {  	[spmem:s2] =	stream.indirect.scatter.add.f32 [tilespmem:s31], [sflag:$0x2], $0x4, s30, s30, $0xb8;
	[tilespmem:$0x19320] =	vst v63  }
0xd0: {  	_ =	swait.ge [sflag:s24], $0x1F40  }
0xd1: {  	[sflag:s24] =	ssyncset.done $0x0  }
0xd2: {  	s12 =	simm.s32 $0x0;
	[sflag:s24] =	ssyncadd.s32 $0xFFFFE0C0  }
0xd3: {  	s13 =	simm.s32 $0x0;
	s14 =	simm.s32 $0x0;
	[bflag:$0x0] =	sbarrier.arrive $0xFFFF  }
.LBB2_10:
0xd4: {  	s9 =	smul.u32 $0x320, s14;
	_ =	sdelay $0x1  }
0xd5: {  	s9 =	sadd.s32 s8, s9  }
0xd6: {  	s9 =	sshll.u32 s9, $0x3  }
0xd7: {  	s9 =	sand.u32 $0x3FFFFFF8, s9  }
0xd8: {  	s11 =	smul.u32 $0x19, s14;
	s9 =	sadd.s32 s9, s2  }
0xd9: {  	[tilespmem:s25], [sflag:$0x2] =	stream.linear.gather [spmem:s9], $0x1900, $0x38;
	[tilespmem:$0x19320] =	vst v63  }
0xda: {  	s15 =	sadd.s32 s10, s11;
	_ =	swait.ge [sflag:s24], $0x1900  }
0xdb: {  	s20 =	sadd.s32 $0x0, s13;
	s17 =	sshll.u32 s15, $0x4;
	[sflag:s24] =	ssyncset.done $0x0  }
0xdc: {  	s16 =	simm.s32 $0x4E20;
	v5 =	vmov s12;
	v4 =	vor.u32 s20, v0;
	s9 =	sadd.s32 s6, s17;
	[sflag:s24] =	ssyncadd.s32 $0xFFFFE700  }
0xdd: {  	v5 =	vshll.u32 v5, $0x3;
	[tilespmem:s16], [sflag:$0x2] =	stream.linear.gather [hbm4b:s9+s12], $0xC80, $0x38;
	[tilespmem:$0x19320] =	vst v63  }
0xde: {  	v5 =	vor.u32 v1, v5;
	_ =	swait.ge [sflag:s24], $0xC80  }
0xdf: {  	v5 =	vor.u32 v2, v5;
	[sflag:s24] =	ssyncset.done $0x0  }
0xe0: {  	[sflag:s24] =	ssyncadd.s32 $0xFFFFF380  }
0xe1: {  	v4 =	vld.idx.msk [tilespmem:v4+s29+$0x0], $0xffff;
	_ =	sdelay $0x2  }
0xe2: {  	v5 =	vld.idx.msk [tilespmem:v5+s25+$0x0], $0xffff  }
0xe3: {  	v6 =	vld [tilespmem:s16+$0x0]  }
0xe4: {  	v7 =	vmul.f32 $5.000000000e-01, v4;
	_ =	sdelay $0x1  }
0xe5: {  	v7 =	vmul.f32 v7, v4;
	_ =	sdelay $0x1  }
0xe6: {  	s17 =	sadd.s32 $0x4, s13;
	v4 =	vmul.f32 v4, v5;
	v5 =	vmul.f32 v7, v6  }
0xe7: {  	s20 =	simm.s32 $0x4;
	v8 =	vor.u32 s17, v0  }
0xe8: {  	v4 =	vadd.f32 v5, v4;
	v5 =	vmov s20  }
0xe9: {  	v5 =	vshll.u32 v5, $0x3  }
0xea: {  	s16 =	simm.s32 $0x5AA0;
	v5 =	vor.u32 v1, v5  }
0xeb: {  	[tilespmem:s16+$0x0] =	vst v4;
	v5 =	vor.u32 v2, v5  }
0xec: {  	v4 =	vld.idx.msk [tilespmem:v8+s29+$0x0], $0xffff;
	_ =	sdelay $0x1  }
0xed: {  	s17 =	simm.s32 $0x4E30  }
0xee: {  	v6 =	vld [tilespmem:s17+$0x0]  }
0xef: {  	v5 =	vld.idx.msk [tilespmem:v5+s25+$0x0], $0xffff  }
0xf0: {  	v7 =	vmul.f32 $5.000000000e-01, v4;
	_ =	sdelay $0x1  }
0xf1: {  	v7 =	vmul.f32 v7, v4  }
0xf2: {  	s11 =	sadd.s32 $0x8, s13;
	s9 =	simm.s32 $0xC;
	s20 =	simm.s32 $0x8  }
.LBB2_11:
0xf3: {  	p0 =	sne.s32 s9, $0x31C;
	v8 =	vor.u32 s11, v0;
	v4 =	vmul.f32 v4, v5;
	v5 =	vmul.f32 v7, v6  }
0xf4: {  	v6 =	vmov s20;
	s20 =	smov.u32 s9  }
0xf5: {  	v6 =	vshll.u32 v6, $0x3;
	v4 =	vadd.f32 v5, v4  }
0xf6: {  	s16 =	sadd.s32 $0x10, s16;
	v5 =	vor.u32 v1, v6  }
0xf7: {  	v5 =	vor.u32 v2, v5;
	[tilespmem:s16+$0x0] =	vst v4  }
0xf8: {  	v4 =	vld.idx.msk [tilespmem:v8+s29+$0x0], $0xffff;
	_ =	sdelay $0x3  }
0xf9: {  	s17 =	sadd.s32 $0x10, s17;
	v5 =	vld.idx.msk [tilespmem:v5+s25+$0x0], $0xffff  }
.Ltmp4:
0xfa: {  	v6 =	vld [tilespmem:s17+$0x0];
	(pc) =	sbr.rel @p0 .LBB2_11-.Ltmp4, $3  }
0xfb: {  	v7 =	vmul.f32 $5.000000000e-01, v4;
	_ =	sdelay $0x1  }
0xfc: {  	v7 =	vmul.f32 v7, v4  }
0xfd: {  	s9 =	sadd.s32 $0x4, s9;
	s11 =	sadd.s32 s20, s13  }
0xfe: {  	v8 =	vor.u32 s11, v0;
	v4 =	vmul.f32 v4, v5;
	v5 =	vmul.f32 v7, v6  }
0xff: {  	v61 =	vmov s20  }
0x100: {  	v6 =	vshll.u32 v61, $0x3;
	v4 =	vadd.f32 v5, v4  }
0x101: {  	s9 =	sadd.s32 $0x10, s16;
	v5 =	vor.u32 v1, v6  }
0x102: {  	v5 =	vor.u32 v2, v5;
	[tilespmem:s9+$0x0] =	vst v4  }
0x103: {  	v4 =	vld.idx.msk [tilespmem:v8+s29+$0x0], $0xffff;
	_ =	sdelay $0x1  }
0x104: {  	s16 =	sadd.s32 $0x10, s17  }
0x105: {  	v62 =	vld [tilespmem:s16+$0x0]  }
0x106: {  	v5 =	vld.idx.msk [tilespmem:v5+s25+$0x0], $0xffff  }
0x107: {  	v63 =	vmul.f32 $5.000000000e-01, v4;
	_ =	sdelay $0x1  }
0x108: {  	v7 =	vmul.f32 v63, v4;
	_ =	sdelay $0x1  }
0x109: {  	v4 =	vmul.f32 v4, v5;
	v5 =	vmul.f32 v7, v62  }
0x10a: {  	s17 =	sshll.u32 s15, $0x7  }
0x10b: {  	s14 =	sadd.s32 $0x1, s14;
	s11 =	sadd.s32 s19, s17;
	v4 =	vadd.f32 v5, v4  }
0x10c: {  	p0 =	sne.s32 s14, $0x8;
	s11 =	sshrl.u32 s11, $0x3;
	s9 =	sadd.s32 $0x10, s9  }
.Ltmp5:
0x10d: {  	s20 =	sadd.s32 s7, s11;
	[tilespmem:s9+$0x0] =	vst v4;
	(pc) =	sbr.rel @p0 .LBB2_10-.Ltmp5, $4  }
0x10e: {  	[hbm4b:s20+s4] =	stream.linear.scatter [tilespmem:s0], [sflag:$0x2], $0xC80, $0x38;
	[tilespmem:$0x19320] =	vst v63  }
0x10f: {  	_ =	swait.ge [sflag:s24], $0xC80  }
0x110: {  	[sflag:s24] =	ssyncset.done $0x0  }
0x111: {  	s13 =	sadd.s32 $0x320, s13;
	[sflag:s24] =	ssyncadd.s32 $0xFFFFF380  }
0x112: {  	s11 =	rddreg [dreg:$0xd]  }
0x113: {  	s9 =	rddreg [dreg:$0xc];
	s11 =	sadd.s32 $0x1, s11  }
0x114: {  	p0 =	sne.s32 s11, s9  }
.Ltmp6:
0x115: {  	_ = 	snop;
	(pc) =	sbr.rel @p0 .LBB2_1-.Ltmp6, $1  }
0x116: {  	_ =	sdelay $0x3  }
0x117: {  	_ =	sfence.sel $0x180000  }
0x118: {  	[bflag:$0x0] =	sbarrier.arrive $0xFFFF  }
0x119: {  	_ =	strace $0x9000004A  }
0x11a: {  	s0 =	stileid.u32;
	[bflag:$0x2] =	sbarrier.arrive $0xFFFF  }
0x11b: {  	p0 =	sne.s32 s0, $0x0;
	s0 =	rddreg [dreg:$0x3]  }
0x11c: {  	s0 =	sadd.s32 @!p0 $0x100000, s0  }
0x11d: {  	[sflag:s0] =	ssyncadd.tile.s32 @!p0 $0x1;
	_ =	shalt  }
.Lfunc_end2:
_tile_overlayer_lowered:
.L_overlay_start_2:
0x11e: {  	(tag) =	ssettag $0x2  }
0x11f: {  	s0 =	rddreg [dreg:$0x0];
	s2 =	stileid.u32  }
0x120: {  	s1 =	rddreg [dreg:$0x1];
	p0 =	sne.s32 s2, $0x0  }
0x121: {  	s3 =	rddreg [dreg:$0x2];
	[bflag:$0x3] =	sbarrier.arrive $0xFFFF;
	s2 =	simm.s32 @!p0 $0x1C02  }
0x122: {  	[timem:s3], [sflag:s2] =	dma.local @!p0 [hbm:s0], s1  }
0x123: {  	s0 =	simm.s32 @!p0 $0x2  }
0x124: {  	_ =	swait.ge @!p0 [sflag:s0], s1  }
0x125: {  	s1 =	ssub.s32 @!p0 $0x0, s1;
	[sflag:s0] =	ssyncset.done @!p0 $0x0  }
0x126: {  	[sflag:s0] =	ssyncadd.s32 @!p0 s1  }
0x127: {  	[bflag:$0x3] =	sbarrier.arrive $0xFFFF  }
0x128: {  	_ =	shalt  }

</sc_bundles>
